<compile_context>
chip_gen: v7x
topology: tpu7x:2x2x1
jax: 0.10.2.dev20260603
libtpu: 0.0.44.dev20260713+nightly
codegen_flags: <defaults>
</compile_context>

<pallas_src>
import functools

import jax
import jax.numpy as jnp
from jax import lax
from jax.experimental import pallas as pl
from jax.experimental.pallas import tpu as pltpu
from jax.experimental.pallas import tpu_sc as plsc

N_NODES = 10000
N_EDGES = 320000
D_FEAT = 128
HIDDEN = 128
CLASSES = 40

NCORES = 2
NSUB = 16
NW = NCORES * NSUB
CH1 = 72
NC1 = -(-N_EDGES // (NW * CH1))
EP1 = NC1 * NW * CH1
CH2 = 128
NC2 = -(-N_EDGES // (NW * CH2))
EP2 = NC2 * NW * CH2
DUMMY = N_NODES
ZROWS = 626
N_PAD = NSUB * ZROWS
OROWS = ZROWS
W1 = D_FEAT
W2 = 48
WC = 16


@functools.lru_cache(maxsize=None)
def _make_seg_sum(width, count_cols, chunk, n_chunks):
    mesh = plsc.VectorSubcoreMesh(core_axis_name="c", subcore_axis_name="s")
    aw = width + count_cols

    scratch_types = [
        pltpu.VMEM((n_chunks, 1, chunk), jnp.int32),
        pltpu.VMEM((n_chunks, 1, chunk), jnp.int32),
        pltpu.VMEM((2, chunk, width), jnp.float32),
        pltpu.VMEM_SHARED((N_PAD, width), jnp.float32),
        pltpu.SemaphoreType.DMA,
    ]
    if count_cols:
        scratch_types += [
            pltpu.VMEM((chunk, count_cols), jnp.float32),
            pltpu.VMEM((chunk, count_cols), jnp.float32),
            pltpu.VMEM_SHARED((N_PAD, count_cols), jnp.float32),
        ]

    @functools.partial(
        pl.kernel,
        mesh=mesh,
        compiler_params=pltpu.CompilerParams(use_tc_tiling_on_sc=False),
        out_type=jax.ShapeDtypeStruct((NCORES, N_PAD, aw), jnp.float32),
        scratch_types=scratch_types,
    )
    def seg_sum(feat_hbm, src_hbm, dst_hbm, *rest):
        if count_cols:
            (ones_hbm, out_hbm, src_v, dst_v, rows_v, acc, sem,
             ones_v, z8_v, cntr) = rest
        else:
            out_hbm, src_v, dst_v, rows_v, acc, sem = rest
        c = lax.axis_index("c")
        s = lax.axis_index("s")
        wid = s * NCORES + c

        def zrow(r, carry):
            for k in range(width // 16):
                rows_v[0, r, pl.ds(k * 16, 16)] = jnp.zeros(
                    (16,), jnp.float32)
            return carry
        lax.fori_loop(0, chunk, zrow, 0)
        if count_cols:
            pltpu.sync_copy(ones_hbm.at[0], ones_v)
            pltpu.sync_copy(ones_hbm.at[1], z8_v)
        row0 = s * ZROWS
        nfull = ZROWS // chunk
        def zcopy(t, carry):
            r0 = row0 + t * chunk
            pltpu.sync_copy(rows_v.at[0], acc.at[pl.ds(r0, chunk)])
            if count_cols:
                pltpu.sync_copy(z8_v, cntr.at[pl.ds(r0, chunk)])
            return carry
        lax.fori_loop(0, nfull, zcopy, 0)
        rem = ZROWS - nfull * chunk
        if rem:
            r0 = row0 + nfull * chunk
            pltpu.sync_copy(rows_v.at[0, pl.ds(0, rem)],
                            acc.at[pl.ds(r0, rem)])
            if count_cols:
                pltpu.sync_copy(z8_v.at[pl.ds(0, rem)],
                                cntr.at[pl.ds(r0, rem)])
        plsc.subcore_barrier()

        pltpu.sync_copy(src_hbm.at[wid], src_v)
        pltpu.sync_copy(dst_hbm.at[wid], dst_v)

        def gather(j, b):
            return pltpu.make_async_copy(feat_hbm.at[src_v.at[j, 0]],
                                         rows_v.at[b], sem)
        gather(0, 0).start()
        def body(j, carry):
            b = lax.rem(j, 2)
            gather(j, b).wait()
            @pl.when(j + 1 < n_chunks)
            def _prefetch():
                gather(j + 1, 1 - b).start()
            pltpu.sync_copy(rows_v.at[b], acc.at[dst_v.at[j, 0]], add=True)
            if count_cols:
                pltpu.sync_copy(ones_v, cntr.at[dst_v.at[j, 0]], add=True)
            return carry
        lax.fori_loop(0, n_chunks, body, 0)
        plsc.subcore_barrier()

        o0 = s * OROWS
        if count_cols:
            pltpu.sync_copy(acc.at[pl.ds(o0, OROWS)],
                            out_hbm.at[c, pl.ds(o0, OROWS), pl.ds(0, width)])
            pltpu.sync_copy(
                cntr.at[pl.ds(o0, OROWS)],
                out_hbm.at[c, pl.ds(o0, OROWS), pl.ds(width, count_cols)])
        else:
            pltpu.sync_copy(acc.at[pl.ds(o0, OROWS)],
                            out_hbm.at[c, pl.ds(o0, OROWS)])

    return seg_sum


def _dense1_body(p0_ref, p1_ref, x_ref, wl1_ref, bl1_ref,
                 wr1_ref, wl2_ref, h_ref, g_ref, ic_ref):
    p0 = p0_ref[...]
    p1 = p1_ref[...]
    ssum = p0[:, :D_FEAT] + p1[:, :D_FEAT]
    cnt = jnp.sum(p0[:, D_FEAT:] + p1[:, D_FEAT:], axis=1,
                  keepdims=True) * (1.0 / WC)
    invc = 1.0 / jnp.maximum(cnt, 1.0)
    mean = ssum * invc
    x = x_ref[...]
    h = jnp.maximum(
        jnp.dot(mean, wl1_ref[...], preferred_element_type=jnp.float32)
        + bl1_ref[...]
        + jnp.dot(x, wr1_ref[...], preferred_element_type=jnp.float32),
        0.0)
    h_ref[...] = h
    g_ref[...] = jnp.dot(h, wl2_ref[...], preferred_element_type=jnp.float32)
    ic_ref[...] = jnp.broadcast_to(invc, ic_ref.shape)


def _dense2_body(q0_ref, q1_ref, ic_ref, h_ref, wr2_ref, bl2_ref, o_ref):
    z = ((q0_ref[...] + q1_ref[...]) * ic_ref[...] + bl2_ref[...]
         + jnp.dot(h_ref[...], wr2_ref[...],
                   preferred_element_type=jnp.float32))
    col = lax.broadcasted_iota(jnp.int32, z.shape, 1)
    valid = col < CLASSES
    zm = jnp.where(valid, z, -1e30)
    m = jnp.max(zm, axis=1, keepdims=True)
    ez = jnp.where(valid, jnp.exp(z - m), 0.0)
    ls = jnp.log(jnp.sum(ez, axis=1, keepdims=True))
    o_ref[...] = (z - m - ls)[:, :CLASSES]


_ROWS_BLK = 1000


def _dense1(p0, p1, x, wl1t, bl1, wr1t, wl2tp):
    grid = (N_NODES // _ROWS_BLK,)
    return pl.pallas_call(
        _dense1_body,
        grid=grid,
        in_specs=[
            pl.BlockSpec((_ROWS_BLK, W1 + WC), lambda i: (i, 0)),
            pl.BlockSpec((_ROWS_BLK, W1 + WC), lambda i: (i, 0)),
            pl.BlockSpec((_ROWS_BLK, D_FEAT), lambda i: (i, 0)),
            pl.BlockSpec((D_FEAT, HIDDEN), lambda i: (0, 0)),
            pl.BlockSpec((1, HIDDEN), lambda i: (0, 0)),
            pl.BlockSpec((D_FEAT, HIDDEN), lambda i: (0, 0)),
            pl.BlockSpec((HIDDEN, W2), lambda i: (0, 0)),
        ],
        out_specs=[
            pl.BlockSpec((_ROWS_BLK, HIDDEN), lambda i: (i, 0)),
            pl.BlockSpec((_ROWS_BLK, W2), lambda i: (i, 0)),
            pl.BlockSpec((_ROWS_BLK, W2), lambda i: (i, 0)),
        ],
        out_shape=[
            jax.ShapeDtypeStruct((N_NODES, HIDDEN), jnp.float32),
            jax.ShapeDtypeStruct((N_NODES, W2), jnp.float32),
            jax.ShapeDtypeStruct((N_NODES, W2), jnp.float32),
        ],
    )(p0, p1, x, wl1t, bl1, wr1t, wl2tp)


def _dense2(q0, q1, ic, h, wr2tp, bl2p):
    grid = (N_NODES // _ROWS_BLK,)
    return pl.pallas_call(
        _dense2_body,
        grid=grid,
        in_specs=[
            pl.BlockSpec((_ROWS_BLK, W2), lambda i: (i, 0)),
            pl.BlockSpec((_ROWS_BLK, W2), lambda i: (i, 0)),
            pl.BlockSpec((_ROWS_BLK, W2), lambda i: (i, 0)),
            pl.BlockSpec((_ROWS_BLK, HIDDEN), lambda i: (i, 0)),
            pl.BlockSpec((HIDDEN, W2), lambda i: (0, 0)),
            pl.BlockSpec((1, W2), lambda i: (0, 0)),
        ],
        out_specs=pl.BlockSpec((_ROWS_BLK, CLASSES), lambda i: (i, 0)),
        out_shape=jax.ShapeDtypeStruct((N_NODES, CLASSES), jnp.float32),
    )(q0, q1, ic, h, wr2tp, bl2p)


def _edge_layout(src, dst, chunk, n_chunks, e_pad):
    pad = e_pad - N_EDGES
    srcp = jnp.concatenate(
        [src, jnp.zeros((pad,), jnp.int32)]).reshape(NW, n_chunks, 1, chunk)
    dstp = jnp.concatenate(
        [dst, jnp.full((pad,), DUMMY, jnp.int32)]).reshape(
            NW, n_chunks, 1, chunk)
    return srcp, dstp


def kernel(x, edge_index, Wl1, bl1, Wr1, Wl2, bl2, Wr2):
    x = x.astype(jnp.float32)
    src = edge_index[0].astype(jnp.int32)
    dst = edge_index[1].astype(jnp.int32)
    srcp1, dstp1 = _edge_layout(src, dst, CH1, NC1, EP1)
    srcp2, dstp2 = _edge_layout(src, dst, CH2, NC2, EP2)

    xa = jnp.concatenate([x, jnp.ones((N_NODES, WC), jnp.float32)], axis=1)
    part1 = _make_seg_sum(W1 + WC, 0, CH1, NC1)(xa, srcp1, dstp1)[:, :N_NODES]

    wl1t = Wl1.T
    wr1t = Wr1.T
    wl2tp = jnp.pad(Wl2.T, ((0, 0), (0, W2 - CLASSES)))
    h, g48, ic48 = _dense1(part1[0], part1[1], x, wl1t,
                           bl1.reshape(1, HIDDEN), wr1t, wl2tp)

    part2 = _make_seg_sum(W2, 0, CH2, NC2)(g48, srcp2, dstp2)[:, :N_NODES]

    wr2tp = jnp.pad(Wr2.T, ((0, 0), (0, W2 - CLASSES)))
    bl2p = jnp.pad(bl2, (0, W2 - CLASSES)).reshape(1, W2)
    return _dense2(part2[0], part2[1], ic48, h, wr2tp, bl2p)

# --- scband reference (transcript-rebuilt; emitter-appended) ---
"""Pipeline reference for scband-graph-sage-net-21784074125386 (READ-ONLY COPY).

The authoritative reference and input builder live on the scoring server;
editing this copy changes nothing except your own understanding.
"""

import jax, jax.numpy as jnp
import numpy as np

N_NODES = 10000
N_EDGES = 320000
D_FEAT = 128
HIDDEN = 128
CLASSES = 40


def setup_inputs(seed: int = 0) -> dict:
    key = jax.random.key(seed)
    ks = jax.random.split(key, 8)
    x = jax.random.normal(ks[0], (N_NODES, D_FEAT), dtype=jnp.float32)
    edge_index = jax.random.randint(ks[1], (2, N_EDGES), 0, N_NODES, dtype=jnp.int64)
    # SAGEConv layer 1 params: lin_l (with bias) applied to aggregated neighbors, lin_r (no bias) on root
    s1 = 1.0 / np.sqrt(D_FEAT)
    Wl1 = jax.random.uniform(ks[2], (HIDDEN, D_FEAT), jnp.float32, -s1, s1)
    bl1 = jnp.zeros((HIDDEN,), dtype=jnp.float32)
    Wr1 = jax.random.uniform(ks[3], (HIDDEN, D_FEAT), jnp.float32, -s1, s1)
    s2 = 1.0 / np.sqrt(HIDDEN)
    Wl2 = jax.random.uniform(ks[4], (CLASSES, HIDDEN), jnp.float32, -s2, s2)
    bl2 = jnp.zeros((CLASSES,), dtype=jnp.float32)
    Wr2 = jax.random.uniform(ks[5], (CLASSES, HIDDEN), jnp.float32, -s2, s2)
    return {"x": x, "edge_index": edge_index, "Wl1": Wl1, "bl1": bl1, "Wr1": Wr1,
            "Wl2": Wl2, "bl2": bl2, "Wr2": Wr2}


def _sage_conv(x, edge_index, Wl, bl, Wr):
    # PyG SAGEConv, aggr='mean', root_weight=True:
    # out_i = Wl @ mean_{j in N(i)} x_j + bl + Wr @ x_i
    src = edge_index[0]
    dst = edge_index[1]
    msg = jnp.take(x, src, axis=0)                                   # gather  [E, d]
    summed = jax.ops.segment_sum(msg, dst, num_segments=x.shape[0])  # scatter-add
    count = jax.ops.segment_sum(jnp.ones((edge_index.shape[1],), dtype=x.dtype),
                                dst, num_segments=x.shape[0])
    mean = summed / jnp.clip(count, 1.0, None)[:, None]
    return mean @ Wl.T + bl + x @ Wr.T


def reference(x, edge_index, Wl1, bl1, Wr1, Wl2, bl2, Wr2):
    h = _sage_conv(x, edge_index, Wl1, bl1, Wr1)
    h = jax.nn.relu(h)
    # F.dropout(training=self.training) is identity in eval mode
    h = _sage_conv(h, edge_index, Wl2, bl2, Wr2)
    return jax.nn.log_softmax(h, axis=1)

if __name__ == "__main__":
    import jax
    _d = setup_inputs()
    print(jax.jit(kernel)(*tuple(_d.values())))

</pallas_src>

<mosaic_0001>
#map = affine_map<(d0, d1) -> (0, 0)>
#map1 = affine_map<(d0, d1) -> (0, 0, 0, 0)>
#map2 = affine_map<(d0, d1) -> (0, 0, 0)>
module attributes {stable_mosaic.version = 14 : i64} {
  func.func @seg_sum(%arg0: i32, %arg1: i32, %arg2: memref<10000x144xf32, #tpu.memory_space<hbm>>, %arg3: memref<32x139x1x72xi32, #tpu.memory_space<hbm>>, %arg4: memref<32x139x1x72xi32, #tpu.memory_space<hbm>>, %arg5: memref<2x10016x144xf32, #tpu.memory_space<hbm>>, %arg6: memref<139x1x72xi32, #tpu.memory_space<vmem>>, %arg7: memref<139x1x72xi32, #tpu.memory_space<vmem>>, %arg8: memref<2x72x144xf32, #tpu.memory_space<vmem>>, %arg9: memref<10016x144xf32, #tpu.memory_space<vmem_shared>>, %arg10: memref<!tpu.dma_semaphore, #tpu.memory_space<semaphore_mem>>) attributes {dimension_semantics = [#tpu.dimension_semantics<core_parallel>, #tpu.dimension_semantics<subcore_parallel>], iteration_bounds = array<i64: 2, 16>, scalar_prefetch = 0 : i64, scratch_operands = 5 : i64, tpu.core_type = #tpu.core_type<sc_vector_subcore>, window_params = [{transform_indices = #map}, {transform_indices = #map1}, {transform_indices = #map1}, {transform_indices = #map2}]} {
    %mul3A = arith.constant 2 : i32
    %mul3A_0 = arith.muli %arg1, %mul3A : i32
    %add3A = arith.addi %mul3A_0, %arg0 : i32
    %scan3A = arith.constant 0 : i32
    %scan3A_1 = arith.constant 0 : i32
    %scan3A_2 = arith.constant 72 : i32
    %scan3A_3 = arith.addi %scan3A_1, %scan3A_2 : i32
    %scan3A_4 = arith.constant 1 : i32
    scf.for %scan3A_37 = %scan3A_1 to %scan3A_3 step %scan3A_4  : i32 {
      %broadcast_in_dim3A = arith.constant 0.000000e+00 : f32
      %broadcast_in_dim3A_38 = vector.broadcast %broadcast_in_dim3A : f32 to vector<16xf32>
      %swap3A = arith.constant 0 : i32
      %swap3A_39 = arith.index_cast %swap3A : i32 to index
      %swap3A_40 = arith.index_cast %scan3A_37 : i32 to index
      %swap3A_41 = arith.constant 0 : index
      %swap3A_42 = tpu.vector_load %arg8[%swap3A_39, %swap3A_40, %swap3A_41] {strides = array<i32>} : memref<2x72x144xf32, #tpu.memory_space<vmem>>, vector<1x1x16xf32>,
      %swap3A_43 = vector.shape_cast %swap3A_42 : vector<1x1x16xf32> to vector<16xf32>
      %swap3A_44 = vector.shape_cast %broadcast_in_dim3A_38 : vector<16xf32> to vector<1x1x16xf32>
      tpu.vector_store %arg8[%swap3A_39, %swap3A_40, %swap3A_41], %swap3A_44 {strides = array<i32>} : memref<2x72x144xf32, #tpu.memory_space<vmem>>, vector<1x1x16xf32>,
      %broadcast_in_dim3A_45 = arith.constant 0.000000e+00 : f32
      %broadcast_in_dim3A_46 = vector.broadcast %broadcast_in_dim3A_45 : f32 to vector<16xf32>
      %swap3A_47 = arith.constant 0 : i32
      %swap3A_48 = arith.index_cast %swap3A_47 : i32 to index
      %swap3A_49 = arith.index_cast %scan3A_37 : i32 to index
      %swap3A_50 = arith.constant 16 : index
      %swap3A_51 = tpu.vector_load %arg8[%swap3A_48, %swap3A_49, %swap3A_50] {strides = array<i32>} : memref<2x72x144xf32, #tpu.memory_space<vmem>>, vector<1x1x16xf32>,
      %swap3A_52 = vector.shape_cast %swap3A_51 : vector<1x1x16xf32> to vector<16xf32>
      %swap3A_53 = vector.shape_cast %broadcast_in_dim3A_46 : vector<16xf32> to vector<1x1x16xf32>
      tpu.vector_store %arg8[%swap3A_48, %swap3A_49, %swap3A_50], %swap3A_53 {strides = array<i32>} : memref<2x72x144xf32, #tpu.memory_space<vmem>>, vector<1x1x16xf32>,
      %broadcast_in_dim3A_54 = arith.constant 0.000000e+00 : f32
      %broadcast_in_dim3A_55 = vector.broadcast %broadcast_in_dim3A_54 : f32 to vector<16xf32>
      %swap3A_56 = arith.constant 0 : i32
      %swap3A_57 = arith.index_cast %swap3A_56 : i32 to index
      %swap3A_58 = arith.index_cast %scan3A_37 : i32 to index
      %swap3A_59 = arith.constant 32 : index
      %swap3A_60 = tpu.vector_load %arg8[%swap3A_57, %swap3A_58, %swap3A_59] {strides = array<i32>} : memref<2x72x144xf32, #tpu.memory_space<vmem>>, vector<1x1x16xf32>,
      %swap3A_61 = vector.shape_cast %swap3A_60 : vector<1x1x16xf32> to vector<16xf32>
      %swap3A_62 = vector.shape_cast %broadcast_in_dim3A_55 : vector<16xf32> to vector<1x1x16xf32>
      tpu.vector_store %arg8[%swap3A_57, %swap3A_58, %swap3A_59], %swap3A_62 {strides = array<i32>} : memref<2x72x144xf32, #tpu.memory_space<vmem>>, vector<1x1x16xf32>,
      %broadcast_in_dim3A_63 = arith.constant 0.000000e+00 : f32
      %broadcast_in_dim3A_64 = vector.broadcast %broadcast_in_dim3A_63 : f32 to vector<16xf32>
      %swap3A_65 = arith.constant 0 : i32
      %swap3A_66 = arith.index_cast %swap3A_65 : i32 to index
      %swap3A_67 = arith.index_cast %scan3A_37 : i32 to index
      %swap3A_68 = arith.constant 48 : index
      %swap3A_69 = tpu.vector_load %arg8[%swap3A_66, %swap3A_67, %swap3A_68] {strides = array<i32>} : memref<2x72x144xf32, #tpu.memory_space<vmem>>, vector<1x1x16xf32>,
      %swap3A_70 = vector.shape_cast %swap3A_69 : vector<1x1x16xf32> to vector<16xf32>
      %swap3A_71 = vector.shape_cast %broadcast_in_dim3A_64 : vector<16xf32> to vector<1x1x16xf32>
      tpu.vector_store %arg8[%swap3A_66, %swap3A_67, %swap3A_68], %swap3A_71 {strides = array<i32>} : memref<2x72x144xf32, #tpu.memory_space<vmem>>, vector<1x1x16xf32>,
      %broadcast_in_dim3A_72 = arith.constant 0.000000e+00 : f32
      %broadcast_in_dim3A_73 = vector.broadcast %broadcast_in_dim3A_72 : f32 to vector<16xf32>
      %swap3A_74 = arith.constant 0 : i32
      %swap3A_75 = arith.index_cast %swap3A_74 : i32 to index
      %swap3A_76 = arith.index_cast %scan3A_37 : i32 to index
      %swap3A_77 = arith.constant 64 : index
      %swap3A_78 = tpu.vector_load %arg8[%swap3A_75, %swap3A_76, %swap3A_77] {strides = array<i32>} : memref<2x72x144xf32, #tpu.memory_space<vmem>>, vector<1x1x16xf32>,
      %swap3A_79 = vector.shape_cast %swap3A_78 : vector<1x1x16xf32> to vector<16xf32>
      %swap3A_80 = vector.shape_cast %broadcast_in_dim3A_73 : vector<16xf32> to vector<1x1x16xf32>
      tpu.vector_store %arg8[%swap3A_75, %swap3A_76, %swap3A_77], %swap3A_80 {strides = array<i32>} : memref<2x72x144xf32, #tpu.memory_space<vmem>>, vector<1x1x16xf32>,
      %broadcast_in_dim3A_81 = arith.constant 0.000000e+00 : f32
      %broadcast_in_dim3A_82 = vector.broadcast %broadcast_in_dim3A_81 : f32 to vector<16xf32>
      %swap3A_83 = arith.constant 0 : i32
      %swap3A_84 = arith.index_cast %swap3A_83 : i32 to index
      %swap3A_85 = arith.index_cast %scan3A_37 : i32 to index
      %swap3A_86 = arith.constant 80 : index
      %swap3A_87 = tpu.vector_load %arg8[%swap3A_84, %swap3A_85, %swap3A_86] {strides = array<i32>} : memref<2x72x144xf32, #tpu.memory_space<vmem>>, vector<1x1x16xf32>,
      %swap3A_88 = vector.shape_cast %swap3A_87 : vector<1x1x16xf32> to vector<16xf32>
      %swap3A_89 = vector.shape_cast %broadcast_in_dim3A_82 : vector<16xf32> to vector<1x1x16xf32>
      tpu.vector_store %arg8[%swap3A_84, %swap3A_85, %swap3A_86], %swap3A_89 {strides = array<i32>} : memref<2x72x144xf32, #tpu.memory_space<vmem>>, vector<1x1x16xf32>,
      %broadcast_in_dim3A_90 = arith.constant 0.000000e+00 : f32
      %broadcast_in_dim3A_91 = vector.broadcast %broadcast_in_dim3A_90 : f32 to vector<16xf32>
      %swap3A_92 = arith.constant 0 : i32
      %swap3A_93 = arith.index_cast %swap3A_92 : i32 to index
      %swap3A_94 = arith.index_cast %scan3A_37 : i32 to index
      %swap3A_95 = arith.constant 96 : index
      %swap3A_96 = tpu.vector_load %arg8[%swap3A_93, %swap3A_94, %swap3A_95] {strides = array<i32>} : memref<2x72x144xf32, #tpu.memory_space<vmem>>, vector<1x1x16xf32>,
      %swap3A_97 = vector.shape_cast %swap3A_96 : vector<1x1x16xf32> to vector<16xf32>
      %swap3A_98 = vector.shape_cast %broadcast_in_dim3A_91 : vector<16xf32> to vector<1x1x16xf32>
      tpu.vector_store %arg8[%swap3A_93, %swap3A_94, %swap3A_95], %swap3A_98 {strides = array<i32>} : memref<2x72x144xf32, #tpu.memory_space<vmem>>, vector<1x1x16xf32>,
      %broadcast_in_dim3A_99 = arith.constant 0.000000e+00 : f32
      %broadcast_in_dim3A_100 = vector.broadcast %broadcast_in_dim3A_99 : f32 to vector<16xf32>
      %swap3A_101 = arith.constant 0 : i32
      %swap3A_102 = arith.index_cast %swap3A_101 : i32 to index
      %swap3A_103 = arith.index_cast %scan3A_37 : i32 to index
      %swap3A_104 = arith.constant 112 : index
      %swap3A_105 = tpu.vector_load %arg8[%swap3A_102, %swap3A_103, %swap3A_104] {strides = array<i32>} : memref<2x72x144xf32, #tpu.memory_space<vmem>>, vector<1x1x16xf32>,
      %swap3A_106 = vector.shape_cast %swap3A_105 : vector<1x1x16xf32> to vector<16xf32>
      %swap3A_107 = vector.shape_cast %broadcast_in_dim3A_100 : vector<16xf32> to vector<1x1x16xf32>
      tpu.vector_store %arg8[%swap3A_102, %swap3A_103, %swap3A_104], %swap3A_107 {strides = array<i32>} : memref<2x72x144xf32, #tpu.memory_space<vmem>>, vector<1x1x16xf32>,
      %broadcast_in_dim3A_108 = arith.constant 0.000000e+00 : f32
      %broadcast_in_dim3A_109 = vector.broadcast %broadcast_in_dim3A_108 : f32 to vector<16xf32>
      %swap3A_110 = arith.constant 0 : i32
      %swap3A_111 = arith.index_cast %swap3A_110 : i32 to index
      %swap3A_112 = arith.index_cast %scan3A_37 : i32 to index
      %swap3A_113 = arith.constant 128 : index
      %swap3A_114 = tpu.vector_load %arg8[%swap3A_111, %swap3A_112, %swap3A_113] {strides = array<i32>} : memref<2x72x144xf32, #tpu.memory_space<vmem>>, vector<1x1x16xf32>,
      %swap3A_115 = vector.shape_cast %swap3A_114 : vector<1x1x16xf32> to vector<16xf32>
      %swap3A_116 = vector.shape_cast %broadcast_in_dim3A_109 : vector<16xf32> to vector<1x1x16xf32>
      tpu.vector_store %arg8[%swap3A_111, %swap3A_112, %swap3A_113], %swap3A_116 {strides = array<i32>} : memref<2x72x144xf32, #tpu.memory_space<vmem>>, vector<1x1x16xf32>,
    }
    %scan3A_5 = arith.constant 72 : i32
    %mul3A_6 = arith.constant 626 : i32
    %mul3A_7 = arith.muli %arg1, %mul3A_6 : i32
    %scan3A_8 = arith.constant 0 : i32
    %scan3A_9 = arith.constant 0 : i32
    %scan3A_10 = arith.constant 8 : i32
    %scan3A_11 = arith.addi %scan3A_9, %scan3A_10 : i32
    %scan3A_12 = arith.constant 1 : i32
    scf.for %scan3A_37 = %scan3A_9 to %scan3A_11 step %scan3A_12  : i32 {
      %mul3A_38 = arith.constant 72 : i32
      %mul3A_39 = arith.muli %scan3A_37, %mul3A_38 : i32
      %add3A_40 = arith.addi %mul3A_7, %mul3A_39 : i32
      %run_scoped3A_41 = arith.constant 0 : i32
      "tpu.region"() ({
        %run_scoped3A_42 = tpu.sem_alloc : memref<!tpu.dma_semaphore, #tpu.memory_space<semaphore_mem>>
        %dma_start3A_43 = arith.constant 0 : i32
        %dma_start3A_44 = arith.constant 0 : i32
        %dma_start3A_45 = tpu.memref_slice %arg8[%run_scoped3A_41, %dma_start3A_43, %dma_start3A_44] : memref<2x72x144xf32, #tpu.memory_space<vmem>> -> memref<1x72x144xf32, #tpu.memory_space<vmem>>
        %dma_start3A_46 = tpu.memref_squeeze %dma_start3A_45 : memref<1x72x144xf32, #tpu.memory_space<vmem>> -> memref<72x144xf32, #tpu.memory_space<vmem>>
        %dma_start3A_47 = arith.constant 0 : i32
        %dma_start3A_48 = tpu.memref_slice %arg9[%add3A_40, %dma_start3A_47] : memref<10016x144xf32, #tpu.memory_space<vmem_shared>> -> memref<72x144xf32, #tpu.memory_space<vmem_shared>>
        %dma_start3A_49 = arith.constant 0 : i32
        %dma_start3A_50 = tpu.memref_slice %arg9[%add3A_40, %dma_start3A_49] : memref<10016x144xf32, #tpu.memory_space<vmem_shared>> -> memref<72x144xf32, #tpu.memory_space<vmem_shared>>
        %dma_start3A_51 = arith.constant 0 : i32
        %dma_start3A_52 = arith.constant 0 : i32
        %dma_start3A_53 = tpu.memref_slice %arg8[%run_scoped3A_41, %dma_start3A_51, %dma_start3A_52] : memref<2x72x144xf32, #tpu.memory_space<vmem>> -> memref<1x72x144xf32, #tpu.memory_space<vmem>>
        %dma_start3A_54 = tpu.memref_squeeze %dma_start3A_53 : memref<1x72x144xf32, #tpu.memory_space<vmem>> -> memref<72x144xf32, #tpu.memory_space<vmem>>
        tpu.enqueue_dma source(%dma_start3A_54 : memref<72x144xf32, #tpu.memory_space<vmem>>) target(%dma_start3A_50 : memref<72x144xf32, #tpu.memory_space<vmem_shared>>) target_semaphore(%run_scoped3A_42 : memref<!tpu.dma_semaphore, #tpu.memory_space<semaphore_mem>>)
        %dma_wait3A = arith.constant 0 : i32
        %dma_wait3A_55 = arith.constant 0 : i32
        %dma_wait3A_56 = tpu.memref_slice %arg8[%run_scoped3A_41, %dma_wait3A, %dma_wait3A_55] : memref<2x72x144xf32, #tpu.memory_space<vmem>> -> memref<1x72x144xf32, #tpu.memory_space<vmem>>
        %dma_wait3A_57 = tpu.memref_squeeze %dma_wait3A_56 : memref<1x72x144xf32, #tpu.memory_space<vmem>> -> memref<72x144xf32, #tpu.memory_space<vmem>>
        %dma_wait3A_58 = arith.constant 0 : i32
        %dma_wait3A_59 = tpu.memref_slice %arg9[%add3A_40, %dma_wait3A_58] : memref<10016x144xf32, #tpu.memory_space<vmem_shared>> -> memref<72x144xf32, #tpu.memory_space<vmem_shared>>
        %dma_wait3A_60 = arith.constant 0 : i32
        %dma_wait3A_61 = tpu.memref_slice %arg9[%add3A_40, %dma_wait3A_60] : memref<10016x144xf32, #tpu.memory_space<vmem_shared>> -> memref<72x144xf32, #tpu.memory_space<vmem_shared>>
        %dma_wait3A_62 = arith.constant 0 : i32
        %dma_wait3A_63 = arith.constant 0 : i32
        %dma_wait3A_64 = tpu.memref_slice %arg8[%run_scoped3A_41, %dma_wait3A_62, %dma_wait3A_63] : memref<2x72x144xf32, #tpu.memory_space<vmem>> -> memref<1x72x144xf32, #tpu.memory_space<vmem>>
        %dma_wait3A_65 = tpu.memref_squeeze %dma_wait3A_64 : memref<1x72x144xf32, #tpu.memory_space<vmem>> -> memref<72x144xf32, #tpu.memory_space<vmem>>
        tpu.wait_dma2 semaphore(%run_scoped3A_42 : memref<!tpu.dma_semaphore, #tpu.memory_space<semaphore_mem>>) src(%dma_wait3A_65 : memref<72x144xf32, #tpu.memory_space<vmem>>) dst(%dma_wait3A_61 : memref<72x144xf32, #tpu.memory_space<vmem_shared>>)
        tpu.yield
      }) : () -> ()
    }
    %scan3A_13 = arith.constant 8 : i32
    %add3A_14 = arith.constant 576 : i32
    %add3A_15 = arith.addi %mul3A_7, %add3A_14 : i32
    %run_scoped3A = arith.constant 0 : i32
    "tpu.region"() ({
      %run_scoped3A_37 = tpu.sem_alloc : memref<!tpu.dma_semaphore, #tpu.memory_space<semaphore_mem>>
      %dma_start3A_38 = arith.constant 0 : i32
      %dma_start3A_39 = arith.constant 0 : i32
      %dma_start3A_40 = tpu.memref_slice %arg8[%run_scoped3A, %dma_start3A_38, %dma_start3A_39] : memref<2x72x144xf32, #tpu.memory_space<vmem>> -> memref<1x50x144xf32, #tpu.memory_space<vmem>>
      %dma_start3A_41 = tpu.memref_squeeze %dma_start3A_40 : memref<1x50x144xf32, #tpu.memory_space<vmem>> -> memref<50x144xf32, #tpu.memory_space<vmem>>
      %dma_start3A_42 = arith.constant 0 : i32
      %dma_start3A_43 = tpu.memref_slice %arg9[%add3A_15, %dma_start3A_42] : memref<10016x144xf32, #tpu.memory_space<vmem_shared>> -> memref<50x144xf32, #tpu.memory_space<vmem_shared>>
      %dma_start3A_44 = arith.constant 0 : i32
      %dma_start3A_45 = tpu.memref_slice %arg9[%add3A_15, %dma_start3A_44] : memref<10016x144xf32, #tpu.memory_space<vmem_shared>> -> memref<50x144xf32, #tpu.memory_space<vmem_shared>>
      %dma_start3A_46 = arith.constant 0 : i32
      %dma_start3A_47 = arith.constant 0 : i32
      %dma_start3A_48 = tpu.memref_slice %arg8[%run_scoped3A, %dma_start3A_46, %dma_start3A_47] : memref<2x72x144xf32, #tpu.memory_space<vmem>> -> memref<1x50x144xf32, #tpu.memory_space<vmem>>
      %dma_start3A_49 = tpu.memref_squeeze %dma_start3A_48 : memref<1x50x144xf32, #tpu.memory_space<vmem>> -> memref<50x144xf32, #tpu.memory_space<vmem>>
      tpu.enqueue_dma source(%dma_start3A_49 : memref<50x144xf32, #tpu.memory_space<vmem>>) target(%dma_start3A_45 : memref<50x144xf32, #tpu.memory_space<vmem_shared>>) target_semaphore(%run_scoped3A_37 : memref<!tpu.dma_semaphore, #tpu.memory_space<semaphore_mem>>)
      %dma_wait3A = arith.constant 0 : i32
      %dma_wait3A_50 = arith.constant 0 : i32
      %dma_wait3A_51 = tpu.memref_slice %arg8[%run_scoped3A, %dma_wait3A, %dma_wait3A_50] : memref<2x72x144xf32, #tpu.memory_space<vmem>> -> memref<1x50x144xf32, #tpu.memory_space<vmem>>
      %dma_wait3A_52 = tpu.memref_squeeze %dma_wait3A_51 : memref<1x50x144xf32, #tpu.memory_space<vmem>> -> memref<50x144xf32, #tpu.memory_space<vmem>>
      %dma_wait3A_53 = arith.constant 0 : i32
      %dma_wait3A_54 = tpu.memref_slice %arg9[%add3A_15, %dma_wait3A_53] : memref<10016x144xf32, #tpu.memory_space<vmem_shared>> -> memref<50x144xf32, #tpu.memory_space<vmem_shared>>
      %dma_wait3A_55 = arith.constant 0 : i32
      %dma_wait3A_56 = tpu.memref_slice %arg9[%add3A_15, %dma_wait3A_55] : memref<10016x144xf32, #tpu.memory_space<vmem_shared>> -> memref<50x144xf32, #tpu.memory_space<vmem_shared>>
      %dma_wait3A_57 = arith.constant 0 : i32
      %dma_wait3A_58 = arith.constant 0 : i32
      %dma_wait3A_59 = tpu.memref_slice %arg8[%run_scoped3A, %dma_wait3A_57, %dma_wait3A_58] : memref<2x72x144xf32, #tpu.memory_space<vmem>> -> memref<1x50x144xf32, #tpu.memory_space<vmem>>
      %dma_wait3A_60 = tpu.memref_squeeze %dma_wait3A_59 : memref<1x50x144xf32, #tpu.memory_space<vmem>> -> memref<50x144xf32, #tpu.memory_space<vmem>>
      tpu.wait_dma2 semaphore(%run_scoped3A_37 : memref<!tpu.dma_semaphore, #tpu.memory_space<semaphore_mem>>) src(%dma_wait3A_60 : memref<50x144xf32, #tpu.memory_space<vmem>>) dst(%dma_wait3A_56 : memref<50x144xf32, #tpu.memory_space<vmem_shared>>)
      tpu.yield
    }) : () -> ()
    %barrier3A = arith.constant 0 : index
    tpu.barrier barrier_id(%barrier3A)
    "tpu.region"() ({
      %run_scoped3A_37 = tpu.sem_alloc : memref<!tpu.dma_semaphore, #tpu.memory_space<semaphore_mem>>
      %dma_start3A_38 = arith.constant 0 : i32
      %dma_start3A_39 = arith.constant 0 : i32
      %dma_start3A_40 = arith.constant 0 : i32
      %dma_start3A_41 = tpu.memref_slice %arg3[%add3A, %dma_start3A_38, %dma_start3A_39, %dma_start3A_40] : memref<32x139x1x72xi32, #tpu.memory_space<hbm>> -> memref<1x139x1x72xi32, #tpu.memory_space<hbm>>
      %dma_start3A_42 = tpu.memref_squeeze %dma_start3A_41 : memref<1x139x1x72xi32, #tpu.memory_space<hbm>> -> memref<139x1x72xi32, #tpu.memory_space<hbm>>
      %dma_start3A_43 = arith.constant 0 : i32
      %dma_start3A_44 = arith.constant 0 : i32
      %dma_start3A_45 = arith.constant 0 : i32
      %dma_start3A_46 = tpu.memref_slice %arg3[%add3A, %dma_start3A_43, %dma_start3A_44, %dma_start3A_45] : memref<32x139x1x72xi32, #tpu.memory_space<hbm>> -> memref<1x139x1x72xi32, #tpu.memory_space<hbm>>
      %dma_start3A_47 = tpu.memref_squeeze %dma_start3A_46 : memref<1x139x1x72xi32, #tpu.memory_space<hbm>> -> memref<139x1x72xi32, #tpu.memory_space<hbm>>
      tpu.enqueue_dma source(%dma_start3A_47 : memref<139x1x72xi32, #tpu.memory_space<hbm>>) target(%arg6 : memref<139x1x72xi32, #tpu.memory_space<vmem>>) target_semaphore(%run_scoped3A_37 : memref<!tpu.dma_semaphore, #tpu.memory_space<semaphore_mem>>)
      %dma_wait3A = arith.constant 0 : i32
      %dma_wait3A_48 = arith.constant 0 : i32
      %dma_wait3A_49 = arith.constant 0 : i32
      %dma_wait3A_50 = tpu.memref_slice %arg3[%add3A, %dma_wait3A, %dma_wait3A_48, %dma_wait3A_49] : memref<32x139x1x72xi32, #tpu.memory_space<hbm>> -> memref<1x139x1x72xi32, #tpu.memory_space<hbm>>
      %dma_wait3A_51 = tpu.memref_squeeze %dma_wait3A_50 : memref<1x139x1x72xi32, #tpu.memory_space<hbm>> -> memref<139x1x72xi32, #tpu.memory_space<hbm>>
      %dma_wait3A_52 = arith.constant 0 : i32
      %dma_wait3A_53 = arith.constant 0 : i32
      %dma_wait3A_54 = arith.constant 0 : i32
      %dma_wait3A_55 = tpu.memref_slice %arg3[%add3A, %dma_wait3A_52, %dma_wait3A_53, %dma_wait3A_54] : memref<32x139x1x72xi32, #tpu.memory_space<hbm>> -> memref<1x139x1x72xi32, #tpu.memory_space<hbm>>
      %dma_wait3A_56 = tpu.memref_squeeze %dma_wait3A_55 : memref<1x139x1x72xi32, #tpu.memory_space<hbm>> -> memref<139x1x72xi32, #tpu.memory_space<hbm>>
      tpu.wait_dma2 semaphore(%run_scoped3A_37 : memref<!tpu.dma_semaphore, #tpu.memory_space<semaphore_mem>>) src(%dma_wait3A_56 : memref<139x1x72xi32, #tpu.memory_space<hbm>>) dst(%arg6 : memref<139x1x72xi32, #tpu.memory_space<vmem>>)
      tpu.yield
    }) : () -> ()
    "tpu.region"() ({
      %run_scoped3A_37 = tpu.sem_alloc : memref<!tpu.dma_semaphore, #tpu.memory_space<semaphore_mem>>
      %dma_start3A_38 = arith.constant 0 : i32
      %dma_start3A_39 = arith.constant 0 : i32
      %dma_start3A_40 = arith.constant 0 : i32
      %dma_start3A_41 = tpu.memref_slice %arg4[%add3A, %dma_start3A_38, %dma_start3A_39, %dma_start3A_40] : memref<32x139x1x72xi32, #tpu.memory_space<hbm>> -> memref<1x139x1x72xi32, #tpu.memory_space<hbm>>
      %dma_start3A_42 = tpu.memref_squeeze %dma_start3A_41 : memref<1x139x1x72xi32, #tpu.memory_space<hbm>> -> memref<139x1x72xi32, #tpu.memory_space<hbm>>
      %dma_start3A_43 = arith.constant 0 : i32
      %dma_start3A_44 = arith.constant 0 : i32
      %dma_start3A_45 = arith.constant 0 : i32
      %dma_start3A_46 = tpu.memref_slice %arg4[%add3A, %dma_start3A_43, %dma_start3A_44, %dma_start3A_45] : memref<32x139x1x72xi32, #tpu.memory_space<hbm>> -> memref<1x139x1x72xi32, #tpu.memory_space<hbm>>
      %dma_start3A_47 = tpu.memref_squeeze %dma_start3A_46 : memref<1x139x1x72xi32, #tpu.memory_space<hbm>> -> memref<139x1x72xi32, #tpu.memory_space<hbm>>
      tpu.enqueue_dma source(%dma_start3A_47 : memref<139x1x72xi32, #tpu.memory_space<hbm>>) target(%arg7 : memref<139x1x72xi32, #tpu.memory_space<vmem>>) target_semaphore(%run_scoped3A_37 : memref<!tpu.dma_semaphore, #tpu.memory_space<semaphore_mem>>)
      %dma_wait3A = arith.constant 0 : i32
      %dma_wait3A_48 = arith.constant 0 : i32
      %dma_wait3A_49 = arith.constant 0 : i32
      %dma_wait3A_50 = tpu.memref_slice %arg4[%add3A, %dma_wait3A, %dma_wait3A_48, %dma_wait3A_49] : memref<32x139x1x72xi32, #tpu.memory_space<hbm>> -> memref<1x139x1x72xi32, #tpu.memory_space<hbm>>
      %dma_wait3A_51 = tpu.memref_squeeze %dma_wait3A_50 : memref<1x139x1x72xi32, #tpu.memory_space<hbm>> -> memref<139x1x72xi32, #tpu.memory_space<hbm>>
      %dma_wait3A_52 = arith.constant 0 : i32
      %dma_wait3A_53 = arith.constant 0 : i32
      %dma_wait3A_54 = arith.constant 0 : i32
      %dma_wait3A_55 = tpu.memref_slice %arg4[%add3A, %dma_wait3A_52, %dma_wait3A_53, %dma_wait3A_54] : memref<32x139x1x72xi32, #tpu.memory_space<hbm>> -> memref<1x139x1x72xi32, #tpu.memory_space<hbm>>
      %dma_wait3A_56 = tpu.memref_squeeze %dma_wait3A_55 : memref<1x139x1x72xi32, #tpu.memory_space<hbm>> -> memref<139x1x72xi32, #tpu.memory_space<hbm>>
      tpu.wait_dma2 semaphore(%run_scoped3A_37 : memref<!tpu.dma_semaphore, #tpu.memory_space<semaphore_mem>>) src(%dma_wait3A_56 : memref<139x1x72xi32, #tpu.memory_space<hbm>>) dst(%arg7 : memref<139x1x72xi32, #tpu.memory_space<vmem>>)
      tpu.yield
    }) : () -> ()
    %dma_start3A = arith.constant 0 : i32
    %dma_start3A_16 = arith.constant 0 : i32
    %dma_start3A_17 = arith.constant 0 : i32
    %dma_start3A_18 = arith.constant 0 : i32
    %dma_start3A_19 = arith.constant 0 : i32
    %dma_start3A_20 = tpu.memref_slice %arg8[%dma_start3A_17, %dma_start3A_18, %dma_start3A_19] : memref<2x72x144xf32, #tpu.memory_space<vmem>> -> memref<1x72x144xf32, #tpu.memory_space<vmem>>
    %dma_start3A_21 = tpu.memref_squeeze %dma_start3A_20 : memref<1x72x144xf32, #tpu.memory_space<vmem>> -> memref<72x144xf32, #tpu.memory_space<vmem>>
    %dma_start3A_22 = arith.constant 0 : i32
    %dma_start3A_23 = tpu.memref_slice %arg6[%dma_start3A, %dma_start3A_16, %dma_start3A_22] : memref<139x1x72xi32, #tpu.memory_space<vmem>> -> memref<1x1x72xi32, #tpu.memory_space<vmem>>
    %dma_start3A_24 = tpu.memref_squeeze %dma_start3A_23 : memref<1x1x72xi32, #tpu.memory_space<vmem>> -> memref<72xi32, #tpu.memory_space<vmem>>
    %dma_start3A_25 = arith.constant 0 : i32
    %dma_start3A_26 = arith.constant 0 : i32
    %dma_start3A_27 = tpu.memref_slice %arg2[%dma_start3A_25, %dma_start3A_26] : memref<10000x144xf32, #tpu.memory_space<hbm>> -> memref<10000x144xf32, #tpu.memory_space<hbm>>
    tpu.enqueue_indirect_dma source(%dma_start3A_27 : memref<10000x144xf32, #tpu.memory_space<hbm>>) target(%dma_start3A_21 : memref<72x144xf32, #tpu.memory_space<vmem>>) offsets(%dma_start3A_24 : memref<72xi32, #tpu.memory_space<vmem>>) semaphore(%arg10 : memref<!tpu.dma_semaphore, #tpu.memory_space<semaphore_mem>>)
    %scan3A_28 = arith.constant 0 : i32
    %scan3A_29 = arith.constant 0 : i32
    %scan3A_30 = arith.constant 139 : i32
    %scan3A_31 = arith.addi %scan3A_29, %scan3A_30 : i32
    %scan3A_32 = arith.constant 1 : i32
    scf.for %scan3A_37 = %scan3A_29 to %scan3A_31 step %scan3A_32  : i32 {
      %rem3A = arith.constant 2 : i32
      %rem3A_38 = arith.remsi %scan3A_37, %rem3A : i32
      %dma_wait3A = arith.constant 0 : i32
      %dma_wait3A_39 = arith.constant 0 : i32
      %dma_wait3A_40 = arith.constant 0 : i32
      %dma_wait3A_41 = tpu.memref_slice %arg8[%rem3A_38, %dma_wait3A_39, %dma_wait3A_40] : memref<2x72x144xf32, #tpu.memory_space<vmem>> -> memref<1x72x144xf32, #tpu.memory_space<vmem>>
      %dma_wait3A_42 = tpu.memref_squeeze %dma_wait3A_41 : memref<1x72x144xf32, #tpu.memory_space<vmem>> -> memref<72x144xf32, #tpu.memory_space<vmem>>
      %dma_wait3A_43 = arith.constant 0 : i32
      %dma_wait3A_44 = tpu.memref_slice %arg6[%scan3A_37, %dma_wait3A, %dma_wait3A_43] : memref<139x1x72xi32, #tpu.memory_space<vmem>> -> memref<1x1x72xi32, #tpu.memory_space<vmem>>
      %dma_wait3A_45 = tpu.memref_squeeze %dma_wait3A_44 : memref<1x1x72xi32, #tpu.memory_space<vmem>> -> memref<72xi32, #tpu.memory_space<vmem>>
      %dma_wait3A_46 = arith.constant 0 : i32
      %dma_wait3A_47 = arith.constant 0 : i32
      %dma_wait3A_48 = tpu.memref_slice %arg2[%dma_wait3A_46, %dma_wait3A_47] : memref<10000x144xf32, #tpu.memory_space<hbm>> -> memref<10000x144xf32, #tpu.memory_space<hbm>>
      tpu.wait_indirect_dma semaphore(%arg10 : memref<!tpu.dma_semaphore, #tpu.memory_space<semaphore_mem>>) src(%dma_wait3A_48 : memref<10000x144xf32, #tpu.memory_space<hbm>>) dst(%dma_wait3A_42 : memref<72x144xf32, #tpu.memory_space<vmem>>)
      %add3A_49 = arith.constant 1 : i32
      %add3A_50 = arith.addi %scan3A_37, %add3A_49 : i32
      %lt3A = arith.constant 139 : i32
      %lt3A_51 = arith.cmpi slt, %add3A_50, %lt3A : i32
      %convert_element_type3A = arith.extui %lt3A_51 : i1 to i32
      %cond3A = arith.constant 0 : i32
      %cond3A_52 = arith.cmpi ne, %convert_element_type3A, %cond3A : i32
      scf.if %cond3A_52 {
        %add3A_54 = arith.constant 1 : i32
        %add3A_55 = arith.addi %scan3A_37, %add3A_54 : i32
        %sub3A = arith.constant 1 : i32
        %sub3A_56 = arith.subi %sub3A, %rem3A_38 : i32
        %dma_start3A_57 = arith.constant 0 : i32
        %dma_start3A_58 = arith.constant 0 : i32
        %dma_start3A_59 = arith.constant 0 : i32
        %dma_start3A_60 = tpu.memref_slice %arg8[%sub3A_56, %dma_start3A_58, %dma_start3A_59] : memref<2x72x144xf32, #tpu.memory_space<vmem>> -> memref<1x72x144xf32, #tpu.memory_space<vmem>>
        %dma_start3A_61 = tpu.memref_squeeze %dma_start3A_60 : memref<1x72x144xf32, #tpu.memory_space<vmem>> -> memref<72x144xf32, #tpu.memory_space<vmem>>
        %dma_start3A_62 = arith.constant 0 : i32
        %dma_start3A_63 = tpu.memref_slice %arg6[%add3A_55, %dma_start3A_57, %dma_start3A_62] : memref<139x1x72xi32, #tpu.memory_space<vmem>> -> memref<1x1x72xi32, #tpu.memory_space<vmem>>
        %dma_start3A_64 = tpu.memref_squeeze %dma_start3A_63 : memref<1x1x72xi32, #tpu.memory_space<vmem>> -> memref<72xi32, #tpu.memory_space<vmem>>
        %dma_start3A_65 = arith.constant 0 : i32
        %dma_start3A_66 = arith.constant 0 : i32
        %dma_start3A_67 = tpu.memref_slice %arg2[%dma_start3A_65, %dma_start3A_66] : memref<10000x144xf32, #tpu.memory_space<hbm>> -> memref<10000x144xf32, #tpu.memory_space<hbm>>
        tpu.enqueue_indirect_dma source(%dma_start3A_67 : memref<10000x144xf32, #tpu.memory_space<hbm>>) target(%dma_start3A_61 : memref<72x144xf32, #tpu.memory_space<vmem>>) offsets(%dma_start3A_64 : memref<72xi32, #tpu.memory_space<vmem>>) semaphore(%arg10 : memref<!tpu.dma_semaphore, #tpu.memory_space<semaphore_mem>>)
      } else {
      }
      %run_scoped3A_53 = arith.constant 0 : i32
      "tpu.region"() ({
        %run_scoped3A_54 = tpu.sem_alloc : memref<!tpu.dma_semaphore, #tpu.memory_space<semaphore_mem>>
        %dma_start3A_55 = arith.constant 0 : i32
        %dma_start3A_56 = arith.constant 0 : i32
        %dma_start3A_57 = tpu.memref_slice %arg8[%rem3A_38, %dma_start3A_55, %dma_start3A_56] : memref<2x72x144xf32, #tpu.memory_space<vmem>> -> memref<1x72x144xf32, #tpu.memory_space<vmem>>
        %dma_start3A_58 = tpu.memref_squeeze %dma_start3A_57 : memref<1x72x144xf32, #tpu.memory_space<vmem>> -> memref<72x144xf32, #tpu.memory_space<vmem>>
        %dma_start3A_59 = arith.constant 0 : i32
        %dma_start3A_60 = tpu.memref_slice %arg7[%scan3A_37, %run_scoped3A_53, %dma_start3A_59] : memref<139x1x72xi32, #tpu.memory_space<vmem>> -> memref<1x1x72xi32, #tpu.memory_space<vmem>>
        %dma_start3A_61 = tpu.memref_squeeze %dma_start3A_60 : memref<1x1x72xi32, #tpu.memory_space<vmem>> -> memref<72xi32, #tpu.memory_space<vmem>>
        %dma_start3A_62 = arith.constant 0 : i32
        %dma_start3A_63 = arith.constant 0 : i32
        %dma_start3A_64 = tpu.memref_slice %arg9[%dma_start3A_62, %dma_start3A_63] : memref<10016x144xf32, #tpu.memory_space<vmem_shared>> -> memref<10016x144xf32, #tpu.memory_space<vmem_shared>>
        tpu.enqueue_indirect_dma source(%dma_start3A_58 : memref<72x144xf32, #tpu.memory_space<vmem>>) target(%dma_start3A_64 : memref<10016x144xf32, #tpu.memory_space<vmem_shared>>) offsets(%dma_start3A_61 : memref<72xi32, #tpu.memory_space<vmem>>) semaphore(%run_scoped3A_54 : memref<!tpu.dma_semaphore, #tpu.memory_space<semaphore_mem>>) {add = true}
        %dma_wait3A_65 = arith.constant 0 : i32
        %dma_wait3A_66 = arith.constant 0 : i32
        %dma_wait3A_67 = tpu.memref_slice %arg8[%rem3A_38, %dma_wait3A_65, %dma_wait3A_66] : memref<2x72x144xf32, #tpu.memory_space<vmem>> -> memref<1x72x144xf32, #tpu.memory_space<vmem>>
        %dma_wait3A_68 = tpu.memref_squeeze %dma_wait3A_67 : memref<1x72x144xf32, #tpu.memory_space<vmem>> -> memref<72x144xf32, #tpu.memory_space<vmem>>
        %dma_wait3A_69 = arith.constant 0 : i32
        %dma_wait3A_70 = tpu.memref_slice %arg7[%scan3A_37, %run_scoped3A_53, %dma_wait3A_69] : memref<139x1x72xi32, #tpu.memory_space<vmem>> -> memref<1x1x72xi32, #tpu.memory_space<vmem>>
        %dma_wait3A_71 = tpu.memref_squeeze %dma_wait3A_70 : memref<1x1x72xi32, #tpu.memory_space<vmem>> -> memref<72xi32, #tpu.memory_space<vmem>>
        %dma_wait3A_72 = arith.constant 0 : i32
        %dma_wait3A_73 = arith.constant 0 : i32
        %dma_wait3A_74 = tpu.memref_slice %arg9[%dma_wait3A_72, %dma_wait3A_73] : memref<10016x144xf32, #tpu.memory_space<vmem_shared>> -> memref<10016x144xf32, #tpu.memory_space<vmem_shared>>
        tpu.wait_indirect_dma semaphore(%run_scoped3A_54 : memref<!tpu.dma_semaphore, #tpu.memory_space<semaphore_mem>>) src(%dma_wait3A_68 : memref<72x144xf32, #tpu.memory_space<vmem>>) dst(%dma_wait3A_74 : memref<10016x144xf32, #tpu.memory_space<vmem_shared>>)
        tpu.yield
      }) : () -> ()
    }
    %scan3A_33 = arith.constant 139 : i32
    %barrier3A_34 = arith.constant 0 : index
    tpu.barrier barrier_id(%barrier3A_34)
    %mul3A_35 = arith.constant 626 : i32
    %mul3A_36 = arith.muli %arg1, %mul3A_35 : i32
    "tpu.region"() ({
      %run_scoped3A_37 = tpu.sem_alloc : memref<!tpu.dma_semaphore, #tpu.memory_space<semaphore_mem>>
      %dma_start3A_38 = arith.constant 0 : i32
      %dma_start3A_39 = tpu.memref_slice %arg5[%arg0, %mul3A_36, %dma_start3A_38] : memref<2x10016x144xf32, #tpu.memory_space<hbm>> -> memref<1x626x144xf32, #tpu.memory_space<hbm>>
      %dma_start3A_40 = tpu.memref_squeeze %dma_start3A_39 : memref<1x626x144xf32, #tpu.memory_space<hbm>> -> memref<626x144xf32, #tpu.memory_space<hbm>>
      %dma_start3A_41 = arith.constant 0 : i32
      %dma_start3A_42 = tpu.memref_slice %arg9[%mul3A_36, %dma_start3A_41] : memref<10016x144xf32, #tpu.memory_space<vmem_shared>> -> memref<626x144xf32, #tpu.memory_space<vmem_shared>>
      tpu.enqueue_dma source(%dma_start3A_42 : memref<626x144xf32, #tpu.memory_space<vmem_shared>>) target(%dma_start3A_40 : memref<626x144xf32, #tpu.memory_space<hbm>>) target_semaphore(%run_scoped3A_37 : memref<!tpu.dma_semaphore, #tpu.memory_space<semaphore_mem>>)
      %dma_wait3A = arith.constant 0 : i32
      %dma_wait3A_43 = tpu.memref_slice %arg5[%arg0, %mul3A_36, %dma_wait3A] : memref<2x10016x144xf32, #tpu.memory_space<hbm>> -> memref<1x626x144xf32, #tpu.memory_space<hbm>>
      %dma_wait3A_44 = tpu.memref_squeeze %dma_wait3A_43 : memref<1x626x144xf32, #tpu.memory_space<hbm>> -> memref<626x144xf32, #tpu.memory_space<hbm>>
      %dma_wait3A_45 = arith.constant 0 : i32
      %dma_wait3A_46 = tpu.memref_slice %arg9[%mul3A_36, %dma_wait3A_45] : memref<10016x144xf32, #tpu.memory_space<vmem_shared>> -> memref<626x144xf32, #tpu.memory_space<vmem_shared>>
      tpu.wait_dma2 semaphore(%run_scoped3A_37 : memref<!tpu.dma_semaphore, #tpu.memory_space<semaphore_mem>>) src(%dma_wait3A_46 : memref<626x144xf32, #tpu.memory_space<vmem_shared>>) dst(%dma_wait3A_44 : memref<626x144xf32, #tpu.memory_space<hbm>>)
      tpu.yield
    }) : () -> ()
    return
  }
}

#map = affine_map<(d0, d1) -> (0, 0)>
#map1 = affine_map<(d0, d1) -> (0, 0, 0, 0)>
#map2 = affine_map<(d0, d1) -> (0, 0, 0)>
module attributes {stable_mosaic.version = 14 : i64} {
  func.func @seg_sum(%arg0: i32, %arg1: i32, %arg2: memref<10000x48xf32, #tpu.memory_space<hbm>>, %arg3: memref<32x79x1x128xi32, #tpu.memory_space<hbm>>, %arg4: memref<32x79x1x128xi32, #tpu.memory_space<hbm>>, %arg5: memref<2x10016x48xf32, #tpu.memory_space<hbm>>, %arg6: memref<79x1x128xi32, #tpu.memory_space<vmem>>, %arg7: memref<79x1x128xi32, #tpu.memory_space<vmem>>, %arg8: memref<2x128x48xf32, #tpu.memory_space<vmem>>, %arg9: memref<10016x48xf32, #tpu.memory_space<vmem_shared>>, %arg10: memref<!tpu.dma_semaphore, #tpu.memory_space<semaphore_mem>>) attributes {dimension_semantics = [#tpu.dimension_semantics<core_parallel>, #tpu.dimension_semantics<subcore_parallel>], iteration_bounds = array<i64: 2, 16>, scalar_prefetch = 0 : i64, scratch_operands = 5 : i64, tpu.core_type = #tpu.core_type<sc_vector_subcore>, window_params = [{transform_indices = #map}, {transform_indices = #map1}, {transform_indices = #map1}, {transform_indices = #map2}]} {
    %mul3A = arith.constant 2 : i32
    %mul3A_0 = arith.muli %arg1, %mul3A : i32
    %add3A = arith.addi %mul3A_0, %arg0 : i32
    %scan3A = arith.constant 0 : i32
    %scan3A_1 = arith.constant 0 : i32
    %scan3A_2 = arith.constant 128 : i32
    %scan3A_3 = arith.addi %scan3A_1, %scan3A_2 : i32
    %scan3A_4 = arith.constant 1 : i32
    scf.for %scan3A_37 = %scan3A_1 to %scan3A_3 step %scan3A_4  : i32 {
      %broadcast_in_dim3A = arith.constant 0.000000e+00 : f32
      %broadcast_in_dim3A_38 = vector.broadcast %broadcast_in_dim3A : f32 to vector<16xf32>
      %swap3A = arith.constant 0 : i32
      %swap3A_39 = arith.index_cast %swap3A : i32 to index
      %swap3A_40 = arith.index_cast %scan3A_37 : i32 to index
      %swap3A_41 = arith.constant 0 : index
      %swap3A_42 = tpu.vector_load %arg8[%swap3A_39, %swap3A_40, %swap3A_41] {strides = array<i32>} : memref<2x128x48xf32, #tpu.memory_space<vmem>>, vector<1x1x16xf32>,
      %swap3A_43 = vector.shape_cast %swap3A_42 : vector<1x1x16xf32> to vector<16xf32>
      %swap3A_44 = vector.shape_cast %broadcast_in_dim3A_38 : vector<16xf32> to vector<1x1x16xf32>
      tpu.vector_store %arg8[%swap3A_39, %swap3A_40, %swap3A_41], %swap3A_44 {strides = array<i32>} : memref<2x128x48xf32, #tpu.memory_space<vmem>>, vector<1x1x16xf32>,
      %broadcast_in_dim3A_45 = arith.constant 0.000000e+00 : f32
      %broadcast_in_dim3A_46 = vector.broadcast %broadcast_in_dim3A_45 : f32 to vector<16xf32>
      %swap3A_47 = arith.constant 0 : i32
      %swap3A_48 = arith.index_cast %swap3A_47 : i32 to index
      %swap3A_49 = arith.index_cast %scan3A_37 : i32 to index
      %swap3A_50 = arith.constant 16 : index
      %swap3A_51 = tpu.vector_load %arg8[%swap3A_48, %swap3A_49, %swap3A_50] {strides = array<i32>} : memref<2x128x48xf32, #tpu.memory_space<vmem>>, vector<1x1x16xf32>,
      %swap3A_52 = vector.shape_cast %swap3A_51 : vector<1x1x16xf32> to vector<16xf32>
      %swap3A_53 = vector.shape_cast %broadcast_in_dim3A_46 : vector<16xf32> to vector<1x1x16xf32>
      tpu.vector_store %arg8[%swap3A_48, %swap3A_49, %swap3A_50], %swap3A_53 {strides = array<i32>} : memref<2x128x48xf32, #tpu.memory_space<vmem>>, vector<1x1x16xf32>,
      %broadcast_in_dim3A_54 = arith.constant 0.000000e+00 : f32
      %broadcast_in_dim3A_55 = vector.broadcast %broadcast_in_dim3A_54 : f32 to vector<16xf32>
      %swap3A_56 = arith.constant 0 : i32
      %swap3A_57 = arith.index_cast %swap3A_56 : i32 to index
      %swap3A_58 = arith.index_cast %scan3A_37 : i32 to index
      %swap3A_59 = arith.constant 32 : index
      %swap3A_60 = tpu.vector_load %arg8[%swap3A_57, %swap3A_58, %swap3A_59] {strides = array<i32>} : memref<2x128x48xf32, #tpu.memory_space<vmem>>, vector<1x1x16xf32>,
      %swap3A_61 = vector.shape_cast %swap3A_60 : vector<1x1x16xf32> to vector<16xf32>
      %swap3A_62 = vector.shape_cast %broadcast_in_dim3A_55 : vector<16xf32> to vector<1x1x16xf32>
      tpu.vector_store %arg8[%swap3A_57, %swap3A_58, %swap3A_59], %swap3A_62 {strides = array<i32>} : memref<2x128x48xf32, #tpu.memory_space<vmem>>, vector<1x1x16xf32>,
    }
    %scan3A_5 = arith.constant 128 : i32
    %mul3A_6 = arith.constant 626 : i32
    %mul3A_7 = arith.muli %arg1, %mul3A_6 : i32
    %scan3A_8 = arith.constant 0 : i32
    %scan3A_9 = arith.constant 0 : i32
    %scan3A_10 = arith.constant 4 : i32
    %scan3A_11 = arith.addi %scan3A_9, %scan3A_10 : i32
    %scan3A_12 = arith.constant 1 : i32
    scf.for %scan3A_37 = %scan3A_9 to %scan3A_11 step %scan3A_12  : i32 {
      %mul3A_38 = arith.constant 128 : i32
      %mul3A_39 = arith.muli %scan3A_37, %mul3A_38 : i32
      %add3A_40 = arith.addi %mul3A_7, %mul3A_39 : i32
      %run_scoped3A_41 = arith.constant 0 : i32
      "tpu.region"() ({
        %run_scoped3A_42 = tpu.sem_alloc : memref<!tpu.dma_semaphore, #tpu.memory_space<semaphore_mem>>
        %dma_start3A_43 = arith.constant 0 : i32
        %dma_start3A_44 = arith.constant 0 : i32
        %dma_start3A_45 = tpu.memref_slice %arg8[%run_scoped3A_41, %dma_start3A_43, %dma_start3A_44] : memref<2x128x48xf32, #tpu.memory_space<vmem>> -> memref<1x128x48xf32, #tpu.memory_space<vmem>>
        %dma_start3A_46 = tpu.memref_squeeze %dma_start3A_45 : memref<1x128x48xf32, #tpu.memory_space<vmem>> -> memref<128x48xf32, #tpu.memory_space<vmem>>
        %dma_start3A_47 = arith.constant 0 : i32
        %dma_start3A_48 = tpu.memref_slice %arg9[%add3A_40, %dma_start3A_47] : memref<10016x48xf32, #tpu.memory_space<vmem_shared>> -> memref<128x48xf32, #tpu.memory_space<vmem_shared>>
        %dma_start3A_49 = arith.constant 0 : i32
        %dma_start3A_50 = tpu.memref_slice %arg9[%add3A_40, %dma_start3A_49] : memref<10016x48xf32, #tpu.memory_space<vmem_shared>> -> memref<128x48xf32, #tpu.memory_space<vmem_shared>>
        %dma_start3A_51 = arith.constant 0 : i32
        %dma_start3A_52 = arith.constant 0 : i32
        %dma_start3A_53 = tpu.memref_slice %arg8[%run_scoped3A_41, %dma_start3A_51, %dma_start3A_52] : memref<2x128x48xf32, #tpu.memory_space<vmem>> -> memref<1x128x48xf32, #tpu.memory_space<vmem>>
        %dma_start3A_54 = tpu.memref_squeeze %dma_start3A_53 : memref<1x128x48xf32, #tpu.memory_space<vmem>> -> memref<128x48xf32, #tpu.memory_space<vmem>>
        tpu.enqueue_dma source(%dma_start3A_54 : memref<128x48xf32, #tpu.memory_space<vmem>>) target(%dma_start3A_50 : memref<128x48xf32, #tpu.memory_space<vmem_shared>>) target_semaphore(%run_scoped3A_42 : memref<!tpu.dma_semaphore, #tpu.memory_space<semaphore_mem>>)
        %dma_wait3A = arith.constant 0 : i32
        %dma_wait3A_55 = arith.constant 0 : i32
        %dma_wait3A_56 = tpu.memref_slice %arg8[%run_scoped3A_41, %dma_wait3A, %dma_wait3A_55] : memref<2x128x48xf32, #tpu.memory_space<vmem>> -> memref<1x128x48xf32, #tpu.memory_space<vmem>>
        %dma_wait3A_57 = tpu.memref_squeeze %dma_wait3A_56 : memref<1x128x48xf32, #tpu.memory_space<vmem>> -> memref<128x48xf32, #tpu.memory_space<vmem>>
        %dma_wait3A_58 = arith.constant 0 : i32
        %dma_wait3A_59 = tpu.memref_slice %arg9[%add3A_40, %dma_wait3A_58] : memref<10016x48xf32, #tpu.memory_space<vmem_shared>> -> memref<128x48xf32, #tpu.memory_space<vmem_shared>>
        %dma_wait3A_60 = arith.constant 0 : i32
        %dma_wait3A_61 = tpu.memref_slice %arg9[%add3A_40, %dma_wait3A_60] : memref<10016x48xf32, #tpu.memory_space<vmem_shared>> -> memref<128x48xf32, #tpu.memory_space<vmem_shared>>
        %dma_wait3A_62 = arith.constant 0 : i32
        %dma_wait3A_63 = arith.constant 0 : i32
        %dma_wait3A_64 = tpu.memref_slice %arg8[%run_scoped3A_41, %dma_wait3A_62, %dma_wait3A_63] : memref<2x128x48xf32, #tpu.memory_space<vmem>> -> memref<1x128x48xf32, #tpu.memory_space<vmem>>
        %dma_wait3A_65 = tpu.memref_squeeze %dma_wait3A_64 : memref<1x128x48xf32, #tpu.memory_space<vmem>> -> memref<128x48xf32, #tpu.memory_space<vmem>>
        tpu.wait_dma2 semaphore(%run_scoped3A_42 : memref<!tpu.dma_semaphore, #tpu.memory_space<semaphore_mem>>) src(%dma_wait3A_65 : memref<128x48xf32, #tpu.memory_space<vmem>>) dst(%dma_wait3A_61 : memref<128x48xf32, #tpu.memory_space<vmem_shared>>)
        tpu.yield
      }) : () -> ()
    }
    %scan3A_13 = arith.constant 4 : i32
    %add3A_14 = arith.constant 512 : i32
    %add3A_15 = arith.addi %mul3A_7, %add3A_14 : i32
    %run_scoped3A = arith.constant 0 : i32
    "tpu.region"() ({
      %run_scoped3A_37 = tpu.sem_alloc : memref<!tpu.dma_semaphore, #tpu.memory_space<semaphore_mem>>
      %dma_start3A_38 = arith.constant 0 : i32
      %dma_start3A_39 = arith.constant 0 : i32
      %dma_start3A_40 = tpu.memref_slice %arg8[%run_scoped3A, %dma_start3A_38, %dma_start3A_39] : memref<2x128x48xf32, #tpu.memory_space<vmem>> -> memref<1x114x48xf32, #tpu.memory_space<vmem>>
      %dma_start3A_41 = tpu.memref_squeeze %dma_start3A_40 : memref<1x114x48xf32, #tpu.memory_space<vmem>> -> memref<114x48xf32, #tpu.memory_space<vmem>>
      %dma_start3A_42 = arith.constant 0 : i32
      %dma_start3A_43 = tpu.memref_slice %arg9[%add3A_15, %dma_start3A_42] : memref<10016x48xf32, #tpu.memory_space<vmem_shared>> -> memref<114x48xf32, #tpu.memory_space<vmem_shared>>
      %dma_start3A_44 = arith.constant 0 : i32
      %dma_start3A_45 = tpu.memref_slice %arg9[%add3A_15, %dma_start3A_44] : memref<10016x48xf32, #tpu.memory_space<vmem_shared>> -> memref<114x48xf32, #tpu.memory_space<vmem_shared>>
      %dma_start3A_46 = arith.constant 0 : i32
      %dma_start3A_47 = arith.constant 0 : i32
      %dma_start3A_48 = tpu.memref_slice %arg8[%run_scoped3A, %dma_start3A_46, %dma_start3A_47] : memref<2x128x48xf32, #tpu.memory_space<vmem>> -> memref<1x114x48xf32, #tpu.memory_space<vmem>>
      %dma_start3A_49 = tpu.memref_squeeze %dma_start3A_48 : memref<1x114x48xf32, #tpu.memory_space<vmem>> -> memref<114x48xf32, #tpu.memory_space<vmem>>
      tpu.enqueue_dma source(%dma_start3A_49 : memref<114x48xf32, #tpu.memory_space<vmem>>) target(%dma_start3A_45 : memref<114x48xf32, #tpu.memory_space<vmem_shared>>) target_semaphore(%run_scoped3A_37 : memref<!tpu.dma_semaphore, #tpu.memory_space<semaphore_mem>>)
      %dma_wait3A = arith.constant 0 : i32
      %dma_wait3A_50 = arith.constant 0 : i32
      %dma_wait3A_51 = tpu.memref_slice %arg8[%run_scoped3A, %dma_wait3A, %dma_wait3A_50] : memref<2x128x48xf32, #tpu.memory_space<vmem>> -> memref<1x114x48xf32, #tpu.memory_space<vmem>>
      %dma_wait3A_52 = tpu.memref_squeeze %dma_wait3A_51 : memref<1x114x48xf32, #tpu.memory_space<vmem>> -> memref<114x48xf32, #tpu.memory_space<vmem>>
      %dma_wait3A_53 = arith.constant 0 : i32
      %dma_wait3A_54 = tpu.memref_slice %arg9[%add3A_15, %dma_wait3A_53] : memref<10016x48xf32, #tpu.memory_space<vmem_shared>> -> memref<114x48xf32, #tpu.memory_space<vmem_shared>>
      %dma_wait3A_55 = arith.constant 0 : i32
      %dma_wait3A_56 = tpu.memref_slice %arg9[%add3A_15, %dma_wait3A_55] : memref<10016x48xf32, #tpu.memory_space<vmem_shared>> -> memref<114x48xf32, #tpu.memory_space<vmem_shared>>
      %dma_wait3A_57 = arith.constant 0 : i32
      %dma_wait3A_58 = arith.constant 0 : i32
      %dma_wait3A_59 = tpu.memref_slice %arg8[%run_scoped3A, %dma_wait3A_57, %dma_wait3A_58] : memref<2x128x48xf32, #tpu.memory_space<vmem>> -> memref<1x114x48xf32, #tpu.memory_space<vmem>>
      %dma_wait3A_60 = tpu.memref_squeeze %dma_wait3A_59 : memref<1x114x48xf32, #tpu.memory_space<vmem>> -> memref<114x48xf32, #tpu.memory_space<vmem>>
      tpu.wait_dma2 semaphore(%run_scoped3A_37 : memref<!tpu.dma_semaphore, #tpu.memory_space<semaphore_mem>>) src(%dma_wait3A_60 : memref<114x48xf32, #tpu.memory_space<vmem>>) dst(%dma_wait3A_56 : memref<114x48xf32, #tpu.memory_space<vmem_shared>>)
      tpu.yield
    }) : () -> ()
    %barrier3A = arith.constant 0 : index
    tpu.barrier barrier_id(%barrier3A)
    "tpu.region"() ({
      %run_scoped3A_37 = tpu.sem_alloc : memref<!tpu.dma_semaphore, #tpu.memory_space<semaphore_mem>>
      %dma_start3A_38 = arith.constant 0 : i32
      %dma_start3A_39 = arith.constant 0 : i32
      %dma_start3A_40 = arith.constant 0 : i32
      %dma_start3A_41 = tpu.memref_slice %arg3[%add3A, %dma_start3A_38, %dma_start3A_39, %dma_start3A_40] : memref<32x79x1x128xi32, #tpu.memory_space<hbm>> -> memref<1x79x1x128xi32, #tpu.memory_space<hbm>>
      %dma_start3A_42 = tpu.memref_squeeze %dma_start3A_41 : memref<1x79x1x128xi32, #tpu.memory_space<hbm>> -> memref<79x1x128xi32, #tpu.memory_space<hbm>>
      %dma_start3A_43 = arith.constant 0 : i32
      %dma_start3A_44 = arith.constant 0 : i32
      %dma_start3A_45 = arith.constant 0 : i32
      %dma_start3A_46 = tpu.memref_slice %arg3[%add3A, %dma_start3A_43, %dma_start3A_44, %dma_start3A_45] : memref<32x79x1x128xi32, #tpu.memory_space<hbm>> -> memref<1x79x1x128xi32, #tpu.memory_space<hbm>>
      %dma_start3A_47 = tpu.memref_squeeze %dma_start3A_46 : memref<1x79x1x128xi32, #tpu.memory_space<hbm>> -> memref<79x1x128xi32, #tpu.memory_space<hbm>>
      tpu.enqueue_dma source(%dma_start3A_47 : memref<79x1x128xi32, #tpu.memory_space<hbm>>) target(%arg6 : memref<79x1x128xi32, #tpu.memory_space<vmem>>) target_semaphore(%run_scoped3A_37 : memref<!tpu.dma_semaphore, #tpu.memory_space<semaphore_mem>>)
      %dma_wait3A = arith.constant 0 : i32
      %dma_wait3A_48 = arith.constant 0 : i32
      %dma_wait3A_49 = arith.constant 0 : i32
      %dma_wait3A_50 = tpu.memref_slice %arg3[%add3A, %dma_wait3A, %dma_wait3A_48, %dma_wait3A_49] : memref<32x79x1x128xi32, #tpu.memory_space<hbm>> -> memref<1x79x1x128xi32, #tpu.memory_space<hbm>>
      %dma_wait3A_51 = tpu.memref_squeeze %dma_wait3A_50 : memref<1x79x1x128xi32, #tpu.memory_space<hbm>> -> memref<79x1x128xi32, #tpu.memory_space<hbm>>
      %dma_wait3A_52 = arith.constant 0 : i32
      %dma_wait3A_53 = arith.constant 0 : i32
      %dma_wait3A_54 = arith.constant 0 : i32
      %dma_wait3A_55 = tpu.memref_slice %arg3[%add3A, %dma_wait3A_52, %dma_wait3A_53, %dma_wait3A_54] : memref<32x79x1x128xi32, #tpu.memory_space<hbm>> -> memref<1x79x1x128xi32, #tpu.memory_space<hbm>>
      %dma_wait3A_56 = tpu.memref_squeeze %dma_wait3A_55 : memref<1x79x1x128xi32, #tpu.memory_space<hbm>> -> memref<79x1x128xi32, #tpu.memory_space<hbm>>
      tpu.wait_dma2 semaphore(%run_scoped3A_37 : memref<!tpu.dma_semaphore, #tpu.memory_space<semaphore_mem>>) src(%dma_wait3A_56 : memref<79x1x128xi32, #tpu.memory_space<hbm>>) dst(%arg6 : memref<79x1x128xi32, #tpu.memory_space<vmem>>)
      tpu.yield
    }) : () -> ()
    "tpu.region"() ({
      %run_scoped3A_37 = tpu.sem_alloc : memref<!tpu.dma_semaphore, #tpu.memory_space<semaphore_mem>>
      %dma_start3A_38 = arith.constant 0 : i32
      %dma_start3A_39 = arith.constant 0 : i32
      %dma_start3A_40 = arith.constant 0 : i32
      %dma_start3A_41 = tpu.memref_slice %arg4[%add3A, %dma_start3A_38, %dma_start3A_39, %dma_start3A_40] : memref<32x79x1x128xi32, #tpu.memory_space<hbm>> -> memref<1x79x1x128xi32, #tpu.memory_space<hbm>>
      %dma_start3A_42 = tpu.memref_squeeze %dma_start3A_41 : memref<1x79x1x128xi32, #tpu.memory_space<hbm>> -> memref<79x1x128xi32, #tpu.memory_space<hbm>>
      %dma_start3A_43 = arith.constant 0 : i32
      %dma_start3A_44 = arith.constant 0 : i32
      %dma_start3A_45 = arith.constant 0 : i32
      %dma_start3A_46 = tpu.memref_slice %arg4[%add3A, %dma_start3A_43, %dma_start3A_44, %dma_start3A_45] : memref<32x79x1x128xi32, #tpu.memory_space<hbm>> -> memref<1x79x1x128xi32, #tpu.memory_space<hbm>>
      %dma_start3A_47 = tpu.memref_squeeze %dma_start3A_46 : memref<1x79x1x128xi32, #tpu.memory_space<hbm>> -> memref<79x1x128xi32, #tpu.memory_space<hbm>>
      tpu.enqueue_dma source(%dma_start3A_47 : memref<79x1x128xi32, #tpu.memory_space<hbm>>) target(%arg7 : memref<79x1x128xi32, #tpu.memory_space<vmem>>) target_semaphore(%run_scoped3A_37 : memref<!tpu.dma_semaphore, #tpu.memory_space<semaphore_mem>>)
      %dma_wait3A = arith.constant 0 : i32
      %dma_wait3A_48 = arith.constant 0 : i32
      %dma_wait3A_49 = arith.constant 0 : i32
      %dma_wait3A_50 = tpu.memref_slice %arg4[%add3A, %dma_wait3A, %dma_wait3A_48, %dma_wait3A_49] : memref<32x79x1x128xi32, #tpu.memory_space<hbm>> -> memref<1x79x1x128xi32, #tpu.memory_space<hbm>>
      %dma_wait3A_51 = tpu.memref_squeeze %dma_wait3A_50 : memref<1x79x1x128xi32, #tpu.memory_space<hbm>> -> memref<79x1x128xi32, #tpu.memory_space<hbm>>
      %dma_wait3A_52 = arith.constant 0 : i32
      %dma_wait3A_53 = arith.constant 0 : i32
      %dma_wait3A_54 = arith.constant 0 : i32
      %dma_wait3A_55 = tpu.memref_slice %arg4[%add3A, %dma_wait3A_52, %dma_wait3A_53, %dma_wait3A_54] : memref<32x79x1x128xi32, #tpu.memory_space<hbm>> -> memref<1x79x1x128xi32, #tpu.memory_space<hbm>>
      %dma_wait3A_56 = tpu.memref_squeeze %dma_wait3A_55 : memref<1x79x1x128xi32, #tpu.memory_space<hbm>> -> memref<79x1x128xi32, #tpu.memory_space<hbm>>
      tpu.wait_dma2 semaphore(%run_scoped3A_37 : memref<!tpu.dma_semaphore, #tpu.memory_space<semaphore_mem>>) src(%dma_wait3A_56 : memref<79x1x128xi32, #tpu.memory_space<hbm>>) dst(%arg7 : memref<79x1x128xi32, #tpu.memory_space<vmem>>)
      tpu.yield
    }) : () -> ()
    %dma_start3A = arith.constant 0 : i32
    %dma_start3A_16 = arith.constant 0 : i32
    %dma_start3A_17 = arith.constant 0 : i32
    %dma_start3A_18 = arith.constant 0 : i32
    %dma_start3A_19 = arith.constant 0 : i32
    %dma_start3A_20 = tpu.memref_slice %arg8[%dma_start3A_17, %dma_start3A_18, %dma_start3A_19] : memref<2x128x48xf32, #tpu.memory_space<vmem>> -> memref<1x128x48xf32, #tpu.memory_space<vmem>>
    %dma_start3A_21 = tpu.memref_squeeze %dma_start3A_20 : memref<1x128x48xf32, #tpu.memory_space<vmem>> -> memref<128x48xf32, #tpu.memory_space<vmem>>
    %dma_start3A_22 = arith.constant 0 : i32
    %dma_start3A_23 = tpu.memref_slice %arg6[%dma_start3A, %dma_start3A_16, %dma_start3A_22] : memref<79x1x128xi32, #tpu.memory_space<vmem>> -> memref<1x1x128xi32, #tpu.memory_space<vmem>>
    %dma_start3A_24 = tpu.memref_squeeze %dma_start3A_23 : memref<1x1x128xi32, #tpu.memory_space<vmem>> -> memref<128xi32, #tpu.memory_space<vmem>>
    %dma_start3A_25 = arith.constant 0 : i32
    %dma_start3A_26 = arith.constant 0 : i32
    %dma_start3A_27 = tpu.memref_slice %arg2[%dma_start3A_25, %dma_start3A_26] : memref<10000x48xf32, #tpu.memory_space<hbm>> -> memref<10000x48xf32, #tpu.memory_space<hbm>>
    tpu.enqueue_indirect_dma source(%dma_start3A_27 : memref<10000x48xf32, #tpu.memory_space<hbm>>) target(%dma_start3A_21 : memref<128x48xf32, #tpu.memory_space<vmem>>) offsets(%dma_start3A_24 : memref<128xi32, #tpu.memory_space<vmem>>) semaphore(%arg10 : memref<!tpu.dma_semaphore, #tpu.memory_space<semaphore_mem>>)
    %scan3A_28 = arith.constant 0 : i32
    %scan3A_29 = arith.constant 0 : i32
    %scan3A_30 = arith.constant 79 : i32
    %scan3A_31 = arith.addi %scan3A_29, %scan3A_30 : i32
    %scan3A_32 = arith.constant 1 : i32
    scf.for %scan3A_37 = %scan3A_29 to %scan3A_31 step %scan3A_32  : i32 {
      %rem3A = arith.constant 2 : i32
      %rem3A_38 = arith.remsi %scan3A_37, %rem3A : i32
      %dma_wait3A = arith.constant 0 : i32
      %dma_wait3A_39 = arith.constant 0 : i32
      %dma_wait3A_40 = arith.constant 0 : i32
      %dma_wait3A_41 = tpu.memref_slice %arg8[%rem3A_38, %dma_wait3A_39, %dma_wait3A_40] : memref<2x128x48xf32, #tpu.memory_space<vmem>> -> memref<1x128x48xf32, #tpu.memory_space<vmem>>
      %dma_wait3A_42 = tpu.memref_squeeze %dma_wait3A_41 : memref<1x128x48xf32, #tpu.memory_space<vmem>> -> memref<128x48xf32, #tpu.memory_space<vmem>>
      %dma_wait3A_43 = arith.constant 0 : i32
      %dma_wait3A_44 = tpu.memref_slice %arg6[%scan3A_37, %dma_wait3A, %dma_wait3A_43] : memref<79x1x128xi32, #tpu.memory_space<vmem>> -> memref<1x1x128xi32, #tpu.memory_space<vmem>>
      %dma_wait3A_45 = tpu.memref_squeeze %dma_wait3A_44 : memref<1x1x128xi32, #tpu.memory_space<vmem>> -> memref<128xi32, #tpu.memory_space<vmem>>
      %dma_wait3A_46 = arith.constant 0 : i32
      %dma_wait3A_47 = arith.constant 0 : i32
      %dma_wait3A_48 = tpu.memref_slice %arg2[%dma_wait3A_46, %dma_wait3A_47] : memref<10000x48xf32, #tpu.memory_space<hbm>> -> memref<10000x48xf32, #tpu.memory_space<hbm>>
      tpu.wait_indirect_dma semaphore(%arg10 : memref<!tpu.dma_semaphore, #tpu.memory_space<semaphore_mem>>) src(%dma_wait3A_48 : memref<10000x48xf32, #tpu.memory_space<hbm>>) dst(%dma_wait3A_42 : memref<128x48xf32, #tpu.memory_space<vmem>>)
      %add3A_49 = arith.constant 1 : i32
      %add3A_50 = arith.addi %scan3A_37, %add3A_49 : i32
      %lt3A = arith.constant 79 : i32
      %lt3A_51 = arith.cmpi slt, %add3A_50, %lt3A : i32
      %convert_element_type3A = arith.extui %lt3A_51 : i1 to i32
      %cond3A = arith.constant 0 : i32
      %cond3A_52 = arith.cmpi ne, %convert_element_type3A, %cond3A : i32
      scf.if %cond3A_52 {
        %add3A_54 = arith.constant 1 : i32
        %add3A_55 = arith.addi %scan3A_37, %add3A_54 : i32
        %sub3A = arith.constant 1 : i32
        %sub3A_56 = arith.subi %sub3A, %rem3A_38 : i32
        %dma_start3A_57 = arith.constant 0 : i32
        %dma_start3A_58 = arith.constant 0 : i32
        %dma_start3A_59 = arith.constant 0 : i32
        %dma_start3A_60 = tpu.memref_slice %arg8[%sub3A_56, %dma_start3A_58, %dma_start3A_59] : memref<2x128x48xf32, #tpu.memory_space<vmem>> -> memref<1x128x48xf32, #tpu.memory_space<vmem>>
        %dma_start3A_61 = tpu.memref_squeeze %dma_start3A_60 : memref<1x128x48xf32, #tpu.memory_space<vmem>> -> memref<128x48xf32, #tpu.memory_space<vmem>>
        %dma_start3A_62 = arith.constant 0 : i32
        %dma_start3A_63 = tpu.memref_slice %arg6[%add3A_55, %dma_start3A_57, %dma_start3A_62] : memref<79x1x128xi32, #tpu.memory_space<vmem>> -> memref<1x1x128xi32, #tpu.memory_space<vmem>>
        %dma_start3A_64 = tpu.memref_squeeze %dma_start3A_63 : memref<1x1x128xi32, #tpu.memory_space<vmem>> -> memref<128xi32, #tpu.memory_space<vmem>>
        %dma_start3A_65 = arith.constant 0 : i32
        %dma_start3A_66 = arith.constant 0 : i32
        %dma_start3A_67 = tpu.memref_slice %arg2[%dma_start3A_65, %dma_start3A_66] : memref<10000x48xf32, #tpu.memory_space<hbm>> -> memref<10000x48xf32, #tpu.memory_space<hbm>>
        tpu.enqueue_indirect_dma source(%dma_start3A_67 : memref<10000x48xf32, #tpu.memory_space<hbm>>) target(%dma_start3A_61 : memref<128x48xf32, #tpu.memory_space<vmem>>) offsets(%dma_start3A_64 : memref<128xi32, #tpu.memory_space<vmem>>) semaphore(%arg10 : memref<!tpu.dma_semaphore, #tpu.memory_space<semaphore_mem>>)
      } else {
      }
      %run_scoped3A_53 = arith.constant 0 : i32
      "tpu.region"() ({
        %run_scoped3A_54 = tpu.sem_alloc : memref<!tpu.dma_semaphore, #tpu.memory_space<semaphore_mem>>
        %dma_start3A_55 = arith.constant 0 : i32
        %dma_start3A_56 = arith.constant 0 : i32
        %dma_start3A_57 = tpu.memref_slice %arg8[%rem3A_38, %dma_start3A_55, %dma_start3A_56] : memref<2x128x48xf32, #tpu.memory_space<vmem>> -> memref<1x128x48xf32, #tpu.memory_space<vmem>>
        %dma_start3A_58 = tpu.memref_squeeze %dma_start3A_57 : memref<1x128x48xf32, #tpu.memory_space<vmem>> -> memref<128x48xf32, #tpu.memory_space<vmem>>
        %dma_start3A_59 = arith.constant 0 : i32
        %dma_start3A_60 = tpu.memref_slice %arg7[%scan3A_37, %run_scoped3A_53, %dma_start3A_59] : memref<79x1x128xi32, #tpu.memory_space<vmem>> -> memref<1x1x128xi32, #tpu.memory_space<vmem>>
        %dma_start3A_61 = tpu.memref_squeeze %dma_start3A_60 : memref<1x1x128xi32, #tpu.memory_space<vmem>> -> memref<128xi32, #tpu.memory_space<vmem>>
        %dma_start3A_62 = arith.constant 0 : i32
        %dma_start3A_63 = arith.constant 0 : i32
        %dma_start3A_64 = tpu.memref_slice %arg9[%dma_start3A_62, %dma_start3A_63] : memref<10016x48xf32, #tpu.memory_space<vmem_shared>> -> memref<10016x48xf32, #tpu.memory_space<vmem_shared>>
        tpu.enqueue_indirect_dma source(%dma_start3A_58 : memref<128x48xf32, #tpu.memory_space<vmem>>) target(%dma_start3A_64 : memref<10016x48xf32, #tpu.memory_space<vmem_shared>>) offsets(%dma_start3A_61 : memref<128xi32, #tpu.memory_space<vmem>>) semaphore(%run_scoped3A_54 : memref<!tpu.dma_semaphore, #tpu.memory_space<semaphore_mem>>) {add = true}
        %dma_wait3A_65 = arith.constant 0 : i32
        %dma_wait3A_66 = arith.constant 0 : i32
        %dma_wait3A_67 = tpu.memref_slice %arg8[%rem3A_38, %dma_wait3A_65, %dma_wait3A_66] : memref<2x128x48xf32, #tpu.memory_space<vmem>> -> memref<1x128x48xf32, #tpu.memory_space<vmem>>
        %dma_wait3A_68 = tpu.memref_squeeze %dma_wait3A_67 : memref<1x128x48xf32, #tpu.memory_space<vmem>> -> memref<128x48xf32, #tpu.memory_space<vmem>>
        %dma_wait3A_69 = arith.constant 0 : i32
        %dma_wait3A_70 = tpu.memref_slice %arg7[%scan3A_37, %run_scoped3A_53, %dma_wait3A_69] : memref<79x1x128xi32, #tpu.memory_space<vmem>> -> memref<1x1x128xi32, #tpu.memory_space<vmem>>
        %dma_wait3A_71 = tpu.memref_squeeze %dma_wait3A_70 : memref<1x1x128xi32, #tpu.memory_space<vmem>> -> memref<128xi32, #tpu.memory_space<vmem>>
        %dma_wait3A_72 = arith.constant 0 : i32
        %dma_wait3A_73 = arith.constant 0 : i32
        %dma_wait3A_74 = tpu.memref_slice %arg9[%dma_wait3A_72, %dma_wait3A_73] : memref<10016x48xf32, #tpu.memory_space<vmem_shared>> -> memref<10016x48xf32, #tpu.memory_space<vmem_shared>>
        tpu.wait_indirect_dma semaphore(%run_scoped3A_54 : memref<!tpu.dma_semaphore, #tpu.memory_space<semaphore_mem>>) src(%dma_wait3A_68 : memref<128x48xf32, #tpu.memory_space<vmem>>) dst(%dma_wait3A_74 : memref<10016x48xf32, #tpu.memory_space<vmem_shared>>)
        tpu.yield
      }) : () -> ()
    }
    %scan3A_33 = arith.constant 79 : i32
    %barrier3A_34 = arith.constant 0 : index
    tpu.barrier barrier_id(%barrier3A_34)
    %mul3A_35 = arith.constant 626 : i32
    %mul3A_36 = arith.muli %arg1, %mul3A_35 : i32
    "tpu.region"() ({
      %run_scoped3A_37 = tpu.sem_alloc : memref<!tpu.dma_semaphore, #tpu.memory_space<semaphore_mem>>
      %dma_start3A_38 = arith.constant 0 : i32
      %dma_start3A_39 = tpu.memref_slice %arg5[%arg0, %mul3A_36, %dma_start3A_38] : memref<2x10016x48xf32, #tpu.memory_space<hbm>> -> memref<1x626x48xf32, #tpu.memory_space<hbm>>
      %dma_start3A_40 = tpu.memref_squeeze %dma_start3A_39 : memref<1x626x48xf32, #tpu.memory_space<hbm>> -> memref<626x48xf32, #tpu.memory_space<hbm>>
      %dma_start3A_41 = arith.constant 0 : i32
      %dma_start3A_42 = tpu.memref_slice %arg9[%mul3A_36, %dma_start3A_41] : memref<10016x48xf32, #tpu.memory_space<vmem_shared>> -> memref<626x48xf32, #tpu.memory_space<vmem_shared>>
      tpu.enqueue_dma source(%dma_start3A_42 : memref<626x48xf32, #tpu.memory_space<vmem_shared>>) target(%dma_start3A_40 : memref<626x48xf32, #tpu.memory_space<hbm>>) target_semaphore(%run_scoped3A_37 : memref<!tpu.dma_semaphore, #tpu.memory_space<semaphore_mem>>)
      %dma_wait3A = arith.constant 0 : i32
      %dma_wait3A_43 = tpu.memref_slice %arg5[%arg0, %mul3A_36, %dma_wait3A] : memref<2x10016x48xf32, #tpu.memory_space<hbm>> -> memref<1x626x48xf32, #tpu.memory_space<hbm>>
      %dma_wait3A_44 = tpu.memref_squeeze %dma_wait3A_43 : memref<1x626x48xf32, #tpu.memory_space<hbm>> -> memref<626x48xf32, #tpu.memory_space<hbm>>
      %dma_wait3A_45 = arith.constant 0 : i32
      %dma_wait3A_46 = tpu.memref_slice %arg9[%mul3A_36, %dma_wait3A_45] : memref<10016x48xf32, #tpu.memory_space<vmem_shared>> -> memref<626x48xf32, #tpu.memory_space<vmem_shared>>
      tpu.wait_dma2 semaphore(%run_scoped3A_37 : memref<!tpu.dma_semaphore, #tpu.memory_space<semaphore_mem>>) src(%dma_wait3A_46 : memref<626x48xf32, #tpu.memory_space<vmem_shared>>) dst(%dma_wait3A_44 : memref<626x48xf32, #tpu.memory_space<hbm>>)
      tpu.yield
    }) : () -> ()
    return
  }
}

module attributes {stable_mosaic.version = 14 : i64} {
  func.func @_dense1_body(%arg0: i32, %arg1: memref<1000x144xf32, #tpu.memory_space<vmem>>, %arg2: memref<1000x144xf32, #tpu.memory_space<vmem>>, %arg3: memref<1000x128xf32, #tpu.memory_space<vmem>>, %arg4: memref<128x128xf32, #tpu.memory_space<vmem>>, %arg5: memref<1x128xf32, #tpu.memory_space<vmem>>, %arg6: memref<128x128xf32, #tpu.memory_space<vmem>>, %arg7: memref<128x48xf32, #tpu.memory_space<vmem>>, %arg8: memref<1000x128xf32, #tpu.memory_space<vmem>>, %arg9: memref<1000x48xf32, #tpu.memory_space<vmem>>, %arg10: memref<1000x48xf32, #tpu.memory_space<vmem>>) attributes {dimension_semantics = [#tpu.dimension_semantics<arbitrary>], iteration_bounds = array<i64: 10>, scalar_prefetch = 0 : i64, scratch_operands = 0 : i64, tpu.core_type = #tpu.core_type<tc>, window_params = [{transform_indices = @transform_0, window_bounds = array<i64: 1000, 144>}, {transform_indices = @transform_1, window_bounds = array<i64: 1000, 144>}, {transform_indices = @transform_2, window_bounds = array<i64: 1000, 128>}, {pipeline_mode = #tpu.pipeline_mode<synchronous>, transform_indices = @transform_3, window_bounds = array<i64: 128, 128>}, {pipeline_mode = #tpu.pipeline_mode<synchronous>, transform_indices = @transform_4, window_bounds = array<i64: 1, 128>}, {pipeline_mode = #tpu.pipeline_mode<synchronous>, transform_indices = @transform_5, window_bounds = array<i64: 128, 128>}, {pipeline_mode = #tpu.pipeline_mode<synchronous>, transform_indices = @transform_6, window_bounds = array<i64: 128, 48>}, {transform_indices = @transform_7, window_bounds = array<i64: 1000, 128>}, {transform_indices = @transform_8, window_bounds = array<i64: 1000, 48>}, {transform_indices = @transform_9, window_bounds = array<i64: 1000, 48>}]} {
    %get3A = arith.constant 0 : index
    %get3A_0 = arith.constant 0 : index
    %get3A_1 = vector.load %arg1[%get3A, %get3A_0] : memref<1000x144xf32, #tpu.memory_space<vmem>>, vector<1000x144xf32>
    %get3A_2 = arith.constant 0 : index
    %get3A_3 = arith.constant 0 : index
    %get3A_4 = vector.load %arg2[%get3A_2, %get3A_3] : memref<1000x144xf32, #tpu.memory_space<vmem>>, vector<1000x144xf32>
    %slice3A = vector.extract_strided_slice %get3A_1 {offsets = [0, 0], sizes = [1000, 128], strides = [1, 1]} : vector<1000x144xf32> to vector<1000x128xf32>
    %slice3A_5 = vector.extract_strided_slice %get3A_4 {offsets = [0, 0], sizes = [1000, 128], strides = [1, 1]} : vector<1000x144xf32> to vector<1000x128xf32>
    %add3A = arith.addf %slice3A, %slice3A_5 : vector<1000x128xf32>
    %slice3A_6 = vector.extract_strided_slice %get3A_1 {offsets = [0, 128], sizes = [1000, 16], strides = [1, 1]} : vector<1000x144xf32> to vector<1000x16xf32>
    %slice3A_7 = vector.extract_strided_slice %get3A_4 {offsets = [0, 128], sizes = [1000, 16], strides = [1, 1]} : vector<1000x144xf32> to vector<1000x16xf32>
    %add3A_8 = arith.addf %slice3A_6, %slice3A_7 : vector<1000x16xf32>
    %reduce_sum3A = arith.constant dense<0.000000e+00> : vector<1000xf32>
    %reduce_sum3A_9 = vector.multi_reduction <add>, %add3A_8, %reduce_sum3A [1] : vector<1000x16xf32> to vector<1000xf32>
    %broadcast_in_dim3A = vector.shape_cast %reduce_sum3A_9 : vector<1000xf32> to vector<1000x1xf32>
    %mul3A = arith.constant 6.250000e-02 : f32
    %mul3A_10 = vector.broadcast %mul3A : f32 to vector<1000x1xf32>
    %mul3A_11 = arith.mulf %broadcast_in_dim3A, %mul3A_10 : vector<1000x1xf32>
    %max3A = arith.constant 1.000000e+00 : f32
    %max3A_12 = vector.broadcast %max3A : f32 to vector<1000x1xf32>
    %max3A_13 = arith.maximumf %mul3A_11, %max3A_12 : vector<1000x1xf32>
    %div3A = arith.constant 1.000000e+00 : f32
    %div3A_14 = vector.broadcast %div3A : f32 to vector<1000x1xf32>
    %div3A_15 = arith.divf %div3A_14, %max3A_13 : vector<1000x1xf32>
    %mul3A_16 = vector.broadcast %div3A_15 : vector<1000x1xf32> to vector<1000x128xf32>
    %mul3A_17 = arith.mulf %add3A, %mul3A_16 : vector<1000x128xf32>
    %get3A_18 = arith.constant 0 : index
    %get3A_19 = arith.constant 0 : index
    %get3A_20 = vector.load %arg3[%get3A_18, %get3A_19] : memref<1000x128xf32, #tpu.memory_space<vmem>>, vector<1000x128xf32>
    %get3A_21 = arith.constant 0 : index
    %get3A_22 = arith.constant 0 : index
    %get3A_23 = vector.load %arg4[%get3A_21, %get3A_22] : memref<128x128xf32, #tpu.memory_space<vmem>>, vector<128x128xf32>
    %dot_general3A = arith.constant dense<0.000000e+00> : vector<1000x128xf32>
    %dot_general3A_24 = tpu.matmul %mul3A_17, %get3A_23, %dot_general3A {dimension_numbers = #tpu.dot_dimension_numbers<[1], [0], [0], [1], [0, 0, 1, 1], [], []>, transpose_lhs_hint = false} : vector<1000x128xf32>, vector<128x128xf32>, vector<1000x128xf32> -> vector<1000x128xf32>
    %get3A_25 = arith.constant 0 : index
    %get3A_26 = arith.constant 0 : index
    %get3A_27 = vector.load %arg5[%get3A_25, %get3A_26] : memref<1x128xf32, #tpu.memory_space<vmem>>, vector<1x128xf32>
    %add3A_28 = vector.broadcast %get3A_27 : vector<1x128xf32> to vector<1000x128xf32>
    %add3A_29 = arith.addf %dot_general3A_24, %add3A_28 : vector<1000x128xf32>
    %get3A_30 = arith.constant 0 : index
    %get3A_31 = arith.constant 0 : index
    %get3A_32 = vector.load %arg6[%get3A_30, %get3A_31] : memref<128x128xf32, #tpu.memory_space<vmem>>, vector<128x128xf32>
    %dot_general3A_33 = arith.constant dense<0.000000e+00> : vector<1000x128xf32>
    %dot_general3A_34 = tpu.matmul %get3A_20, %get3A_32, %dot_general3A_33 {dimension_numbers = #tpu.dot_dimension_numbers<[1], [0], [0], [1], [0, 0, 1, 1], [], []>, transpose_lhs_hint = false} : vector<1000x128xf32>, vector<128x128xf32>, vector<1000x128xf32> -> vector<1000x128xf32>
    %add3A_35 = arith.addf %add3A_29, %dot_general3A_34 : vector<1000x128xf32>
    %max3A_36 = arith.constant 0.000000e+00 : f32
    %max3A_37 = vector.broadcast %max3A_36 : f32 to vector<1000x128xf32>
    %max3A_38 = arith.maximumf %add3A_35, %max3A_37 : vector<1000x128xf32>
    %swap3A = arith.constant 0 : index
    %swap3A_39 = arith.constant 0 : index
    %swap3A_40 = vector.load %arg8[%swap3A, %swap3A_39] : memref<1000x128xf32, #tpu.memory_space<vmem>>, vector<1000x128xf32>
    tpu.vector_store %arg8[%swap3A, %swap3A_39], %max3A_38 {strides = array<i32>} : memref<1000x128xf32, #tpu.memory_space<vmem>>, vector<1000x128xf32>,
    %get3A_41 = arith.constant 0 : index
    %get3A_42 = arith.constant 0 : index
    %get3A_43 = vector.load %arg7[%get3A_41, %get3A_42] : memref<128x48xf32, #tpu.memory_space<vmem>>, vector<128x48xf32>
    %dot_general3A_44 = arith.constant dense<0.000000e+00> : vector<1000x48xf32>
    %dot_general3A_45 = tpu.matmul %max3A_38, %get3A_43, %dot_general3A_44 {dimension_numbers = #tpu.dot_dimension_numbers<[1], [0], [0], [1], [0, 0, 1, 1], [], []>, transpose_lhs_hint = false} : vector<1000x128xf32>, vector<128x48xf32>, vector<1000x48xf32> -> vector<1000x48xf32>
    %swap3A_46 = arith.constant 0 : index
    %swap3A_47 = arith.constant 0 : index
    %swap3A_48 = vector.load %arg9[%swap3A_46, %swap3A_47] : memref<1000x48xf32, #tpu.memory_space<vmem>>, vector<1000x48xf32>
    tpu.vector_store %arg9[%swap3A_46, %swap3A_47], %dot_general3A_45 {strides = array<i32>} : memref<1000x48xf32, #tpu.memory_space<vmem>>, vector<1000x48xf32>,
    %broadcast_in_dim3A_49 = vector.shape_cast %div3A_15 : vector<1000x1xf32> to vector<1000x1xf32>
    %broadcast_in_dim3A_50 = vector.broadcast %broadcast_in_dim3A_49 : vector<1000x1xf32> to vector<1000x48xf32>
    %swap3A_51 = arith.constant 0 : index
    %swap3A_52 = arith.constant 0 : index
    %swap3A_53 = vector.load %arg10[%swap3A_51, %swap3A_52] : memref<1000x48xf32, #tpu.memory_space<vmem>>, vector<1000x48xf32>
    tpu.vector_store %arg10[%swap3A_51, %swap3A_52], %broadcast_in_dim3A_50 {strides = array<i32>} : memref<1000x48xf32, #tpu.memory_space<vmem>>, vector<1000x48xf32>,
    return
  }
  func.func @transform_0(%arg0: i32) -> (i32, i32) {
    %c0_i32 = arith.constant 0 : i32
    %c0_i32_0 = arith.constant 0 : i32
    return %arg0, %c0_i32 : i32, i32
  }
  func.func @transform_1(%arg0: i32) -> (i32, i32) {
    %c0_i32 = arith.constant 0 : i32
    %c0_i32_0 = arith.constant 0 : i32
    return %arg0, %c0_i32 : i32, i32
  }
  func.func @transform_2(%arg0: i32) -> (i32, i32) {
    %c0_i32 = arith.constant 0 : i32
    %c0_i32_0 = arith.constant 0 : i32
    return %arg0, %c0_i32 : i32, i32
  }
  func.func @transform_3(%arg0: i32) -> (i32, i32) {
    %c0_i32 = arith.constant 0 : i32
    %c0_i32_0 = arith.constant 0 : i32
    %c0_i32_1 = arith.constant 0 : i32
    return %c0_i32, %c0_i32_0 : i32, i32
  }
  func.func @transform_4(%arg0: i32) -> (i32, i32) {
    %c0_i32 = arith.constant 0 : i32
    %c0_i32_0 = arith.constant 0 : i32
    %c0_i32_1 = arith.constant 0 : i32
    return %c0_i32, %c0_i32_0 : i32, i32
  }
  func.func @transform_5(%arg0: i32) -> (i32, i32) {
    %c0_i32 = arith.constant 0 : i32
    %c0_i32_0 = arith.constant 0 : i32
    %c0_i32_1 = arith.constant 0 : i32
    return %c0_i32, %c0_i32_0 : i32, i32
  }
  func.func @transform_6(%arg0: i32) -> (i32, i32) {
    %c0_i32 = arith.constant 0 : i32
    %c0_i32_0 = arith.constant 0 : i32
    %c0_i32_1 = arith.constant 0 : i32
    return %c0_i32, %c0_i32_0 : i32, i32
  }
  func.func @transform_7(%arg0: i32) -> (i32, i32) {
    %c0_i32 = arith.constant 0 : i32
    %c0_i32_0 = arith.constant 0 : i32
    return %arg0, %c0_i32 : i32, i32
  }
  func.func @transform_8(%arg0: i32) -> (i32, i32) {
    %c0_i32 = arith.constant 0 : i32
    %c0_i32_0 = arith.constant 0 : i32
    return %arg0, %c0_i32 : i32, i32
  }
  func.func @transform_9(%arg0: i32) -> (i32, i32) {
    %c0_i32 = arith.constant 0 : i32
    %c0_i32_0 = arith.constant 0 : i32
    return %arg0, %c0_i32 : i32, i32
  }
}

module attributes {stable_mosaic.version = 14 : i64} {
  func.func @_dense2_body(%arg0: i32, %arg1: memref<1000x48xf32, #tpu.memory_space<vmem>>, %arg2: memref<1000x48xf32, #tpu.memory_space<vmem>>, %arg3: memref<1000x48xf32, #tpu.memory_space<vmem>>, %arg4: memref<1000x128xf32, #tpu.memory_space<vmem>>, %arg5: memref<128x48xf32, #tpu.memory_space<vmem>>, %arg6: memref<1x48xf32, #tpu.memory_space<vmem>>, %arg7: memref<1000x40xf32, #tpu.memory_space<vmem>>) attributes {dimension_semantics = [#tpu.dimension_semantics<arbitrary>], iteration_bounds = array<i64: 10>, scalar_prefetch = 0 : i64, scratch_operands = 0 : i64, tpu.core_type = #tpu.core_type<tc>, window_params = [{transform_indices = @transform_0, window_bounds = array<i64: 1000, 48>}, {transform_indices = @transform_1, window_bounds = array<i64: 1000, 48>}, {transform_indices = @transform_2, window_bounds = array<i64: 1000, 48>}, {transform_indices = @transform_3, window_bounds = array<i64: 1000, 128>}, {pipeline_mode = #tpu.pipeline_mode<synchronous>, transform_indices = @transform_4, window_bounds = array<i64: 128, 48>}, {pipeline_mode = #tpu.pipeline_mode<synchronous>, transform_indices = @transform_5, window_bounds = array<i64: 1, 48>}, {transform_indices = @transform_6, window_bounds = array<i64: 1000, 40>}]} {
    %get3A = arith.constant 0 : index
    %get3A_0 = arith.constant 0 : index
    %get3A_1 = vector.load %arg1[%get3A, %get3A_0] : memref<1000x48xf32, #tpu.memory_space<vmem>>, vector<1000x48xf32>
    %get3A_2 = arith.constant 0 : index
    %get3A_3 = arith.constant 0 : index
    %get3A_4 = vector.load %arg2[%get3A_2, %get3A_3] : memref<1000x48xf32, #tpu.memory_space<vmem>>, vector<1000x48xf32>
    %add3A = arith.addf %get3A_1, %get3A_4 : vector<1000x48xf32>
    %get3A_5 = arith.constant 0 : index
    %get3A_6 = arith.constant 0 : index
    %get3A_7 = vector.load %arg3[%get3A_5, %get3A_6] : memref<1000x48xf32, #tpu.memory_space<vmem>>, vector<1000x48xf32>
    %mul3A = arith.mulf %add3A, %get3A_7 : vector<1000x48xf32>
    %get3A_8 = arith.constant 0 : index
    %get3A_9 = arith.constant 0 : index
    %get3A_10 = vector.load %arg6[%get3A_8, %get3A_9] : memref<1x48xf32, #tpu.memory_space<vmem>>, vector<1x48xf32>
    %add3A_11 = vector.broadcast %get3A_10 : vector<1x48xf32> to vector<1000x48xf32>
    %add3A_12 = arith.addf %mul3A, %add3A_11 : vector<1000x48xf32>
    %get3A_13 = arith.constant 0 : index
    %get3A_14 = arith.constant 0 : index
    %get3A_15 = vector.load %arg4[%get3A_13, %get3A_14] : memref<1000x128xf32, #tpu.memory_space<vmem>>, vector<1000x128xf32>
    %get3A_16 = arith.constant 0 : index
    %get3A_17 = arith.constant 0 : index
    %get3A_18 = vector.load %arg5[%get3A_16, %get3A_17] : memref<128x48xf32, #tpu.memory_space<vmem>>, vector<128x48xf32>
    %dot_general3A = arith.constant dense<0.000000e+00> : vector<1000x48xf32>
    %dot_general3A_19 = tpu.matmul %get3A_15, %get3A_18, %dot_general3A {dimension_numbers = #tpu.dot_dimension_numbers<[1], [0], [0], [1], [0, 0, 1, 1], [], []>, transpose_lhs_hint = false} : vector<1000x128xf32>, vector<128x48xf32>, vector<1000x48xf32> -> vector<1000x48xf32>
    %add3A_20 = arith.addf %add3A_12, %dot_general3A_19 : vector<1000x48xf32>
    %iota3A = tpu.iota {dimensions = array<i32: 1>} : vector<1000x48xi32>
    %lt3A = arith.constant 40 : i32
    %lt3A_21 = vector.broadcast %lt3A : i32 to vector<1000x48xi32>
    %lt3A_22 = arith.cmpi slt, %iota3A, %lt3A_21 : vector<1000x48xi32>
    %jit3A = arith.constant -1.000000e+30 : f32
    %broadcast_in_dim3A = vector.broadcast %jit3A : f32 to vector<1000x48xf32>
    %select_n3A = arith.select %lt3A_22, %add3A_20, %broadcast_in_dim3A : vector<1000x48xi1>, vector<1000x48xf32>
    %reduce_max3A = arith.constant dense<0xFF800000> : vector<1000xf32>
    %reduce_max3A_23 = vector.multi_reduction <maximumf>, %select_n3A, %reduce_max3A [1] : vector<1000x48xf32> to vector<1000xf32>
    %broadcast_in_dim3A_24 = vector.shape_cast %reduce_max3A_23 : vector<1000xf32> to vector<1000x1xf32>
    %sub3A = vector.broadcast %broadcast_in_dim3A_24 : vector<1000x1xf32> to vector<1000x48xf32>
    %sub3A_25 = arith.subf %add3A_20, %sub3A : vector<1000x48xf32>
    %exp3A = math.exp %sub3A_25 : vector<1000x48xf32>
    %jit3A_26 = arith.constant 0.000000e+00 : f32
    %broadcast_in_dim3A_27 = vector.broadcast %jit3A_26 : f32 to vector<1000x48xf32>
    %select_n3A_28 = arith.select %lt3A_22, %exp3A, %broadcast_in_dim3A_27 : vector<1000x48xi1>, vector<1000x48xf32>
    %reduce_sum3A = arith.constant dense<0.000000e+00> : vector<1000xf32>
    %reduce_sum3A_29 = vector.multi_reduction <add>, %select_n3A_28, %reduce_sum3A [1] : vector<1000x48xf32> to vector<1000xf32>
    %broadcast_in_dim3A_30 = vector.shape_cast %reduce_sum3A_29 : vector<1000xf32> to vector<1000x1xf32>
    %log3A = math.log %broadcast_in_dim3A_30 : vector<1000x1xf32>
    %sub3A_31 = vector.broadcast %broadcast_in_dim3A_24 : vector<1000x1xf32> to vector<1000x48xf32>
    %sub3A_32 = arith.subf %add3A_20, %sub3A_31 : vector<1000x48xf32>
    %sub3A_33 = vector.broadcast %log3A : vector<1000x1xf32> to vector<1000x48xf32>
    %sub3A_34 = arith.subf %sub3A_32, %sub3A_33 : vector<1000x48xf32>
    %slice3A = vector.extract_strided_slice %sub3A_34 {offsets = [0, 0], sizes = [1000, 40], strides = [1, 1]} : vector<1000x48xf32> to vector<1000x40xf32>
    %swap3A = arith.constant 0 : index
    %swap3A_35 = arith.constant 0 : index
    %swap3A_36 = vector.load %arg7[%swap3A, %swap3A_35] : memref<1000x40xf32, #tpu.memory_space<vmem>>, vector<1000x40xf32>
    tpu.vector_store %arg7[%swap3A, %swap3A_35], %slice3A {strides = array<i32>} : memref<1000x40xf32, #tpu.memory_space<vmem>>, vector<1000x40xf32>,
    return
  }
  func.func @transform_0(%arg0: i32) -> (i32, i32) {
    %c0_i32 = arith.constant 0 : i32
    %c0_i32_0 = arith.constant 0 : i32
    return %arg0, %c0_i32 : i32, i32
  }
  func.func @transform_1(%arg0: i32) -> (i32, i32) {
    %c0_i32 = arith.constant 0 : i32
    %c0_i32_0 = arith.constant 0 : i32
    return %arg0, %c0_i32 : i32, i32
  }
  func.func @transform_2(%arg0: i32) -> (i32, i32) {
    %c0_i32 = arith.constant 0 : i32
    %c0_i32_0 = arith.constant 0 : i32
    return %arg0, %c0_i32 : i32, i32
  }
  func.func @transform_3(%arg0: i32) -> (i32, i32) {
    %c0_i32 = arith.constant 0 : i32
    %c0_i32_0 = arith.constant 0 : i32
    return %arg0, %c0_i32 : i32, i32
  }
  func.func @transform_4(%arg0: i32) -> (i32, i32) {
    %c0_i32 = arith.constant 0 : i32
    %c0_i32_0 = arith.constant 0 : i32
    %c0_i32_1 = arith.constant 0 : i32
    return %c0_i32, %c0_i32_0 : i32, i32
  }
  func.func @transform_5(%arg0: i32) -> (i32, i32) {
    %c0_i32 = arith.constant 0 : i32
    %c0_i32_0 = arith.constant 0 : i32
    %c0_i32_1 = arith.constant 0 : i32
    return %c0_i32, %c0_i32_0 : i32, i32
  }
  func.func @transform_6(%arg0: i32) -> (i32, i32) {
    %c0_i32 = arith.constant 0 : i32
    %c0_i32_0 = arith.constant 0 : i32
    return %arg0, %c0_i32 : i32, i32
  }
}

</mosaic_0001>

<sc_bundles>
// kernel: kernel.6.cloned.1.call-start
scs
__scs_entry_jumppad:
0x0: {  	(pc) =	sbr.rel $0x88, $3  }
0x1: {  	(tag) =	ssettag $0x0;
	lr =	simm.s32 $0x1  }
0x2: {  	[smem:$0x3F99] =	sst lr;
	_ =	strace $0xD0000000  }
0x3: {  	_ = 	snop  }
0x4: {  	_ = 	snop  }
0x5: {  	_ = 	snop  }
0x6: {  	_ = 	snop  }
0x7: {  	_ = 	snop  }
__scs_overlays_trampoline_lowered:
0x8: {  	[smem:$0x3FA8] =	sst s0  }
0x9: {  	[smem:$0x3FA9] =	sst s1  }
0xa: {  	[smem:$0x3FAA] =	sst s2  }
0xb: {  	[smem:$0x3FAB] =	sst s3  }
0xc: {  	[smem:$0x3FAC] =	sst s4  }
0xd: {  	[smem:$0x3FAD] =	sst s5  }
0xe: {  	[smem:$0x3FAE] =	sst s6  }
0xf: {  	[smem:$0x3FAF] =	sst s7  }
0x10: {  	[smem:$0x3FB0] =	sst s8  }
0x11: {  	[smem:$0x3FB1] =	sst s9;
	s0 =	simm.s32 @!p0 $0x0  }
0x12: {  	s1 =	sld [smem:$0x3F97];
	s0 =	simm.s32 @p0 $0x1  }
0x13: {  	[smem:$0x3FB2] =	sst s0;
	s0 =	simm.s32 @!p1 $0x0  }
0x14: {  	s2 =	sld [smem:$0x3F96];
	s0 =	simm.s32 @p1 $0x1  }
0x15: {  	[smem:$0x3FB3] =	sst s0;
	s0 =	simm.s32 @!p2 $0x0  }
0x16: {  	s3 =	sld [smem:$0x3FDB];
	s0 =	simm.s32 @p2 $0x1  }
0x17: {  	s4 =	simm.s32 $0x1BF5;
	[smem:$0x3FB5] =	sst s0  }
0x18: {  	s0 =	sld [smem:$0x3F98];
	_ =	swait.ge [sflag:s4], $0x0  }
0x19: {  	s7 =	sld [smem:$0x3F99]  }
0x1a: {  	s8 =	sadd.s32 $0xFFFFE003, lr  }
0x1b: {  	s9 =	sadd.s32 $0xFFFFFEF7, lr;
	s5 =	simm.s32 $0xFFFFFFFF;
	p2 =	slt.u32 s8, $0xFFFFF086  }
0x1c: {  	p1 =	slt.u32 s9, $0xF7A;
	s5 =	simm.s32 @!p2 $0x0  }
0x1d: {  	s5 =	simm.s32 @p1 $0x1;
	p0 =	seq.s32 s7, s2  }
0x1e: {  	s7 =	smul.u32 @!p0 $0xF7A, s2;
	p2 =	seq.s32 @!p0 s5, $0x0  }
0x1f: {  	s9 =	smul.u32 $0xF7A, s1;
	s8 =	simm.s32 @!p0 $0x1BF5;
	p2 =	por !p2, p0  }
0x20: {  	[sflag:s8] =	ssyncset.s32 @!p0 $0xFFFFF086;
	s6 =	sadd.s32 @!p0 s3, s7;
	s7 =	simm.s32 @!p0 $0x108  }
0x21: {  	s3 =	sadd.s32 s3, s9;
	s6 =	sadd.s32 @!p0 $0x88, s6;
	s7 =	simm.s32 @p2 $0x1082  }
0x22: {  	[simem:s7], [sflag:s8] =	dma.local @!p0 [hbm:s6], $0xF7A  }
0x23: {  	s9 =	sor.u32 $0xD0000000, s2;
	s6 =	simm.s32 $0x108;
	_ =	swait.ge @!p0 [sflag:s8], $0x0  }
0x24: {  	s3 =	sadd.s32 $0x88, s3;
	s6 =	simm.s32 @!p1 $0x1082;
	[sflag:s4] =	ssyncset.s32 $0xFFFFF086  }
0x25: {  	[simem:s6], [sflag:s4] =	dma.local [hbm:s3], $0xF7A  }
0x26: {  	[smem:$0x3F99] =	sst s1;
	(tag) =	ssettag s2;
	_ =	strace s9  }
0x27: {  	s1 =	sld [smem:$0x3FA9]  }
0x28: {  	s2 =	sld [smem:$0x3FAA]  }
0x29: {  	s4 =	sld [smem:$0x3FAC]  }
0x2a: {  	p0 =	seq.s32 s5, $0x0;
	s5 =	sld [smem:$0x3FAD]  }
0x2b: {  	s6 =	sld [smem:$0x3FAE]  }
0x2c: {  	s7 =	sld [smem:$0x3FAF]  }
0x2d: {  	s3 =	simm.s32 $0x108;
	s8 =	sld [smem:$0x3FB0]  }
0x2e: {  	s3 =	simm.s32 @!p0 $0x1082;
	s9 =	sld [smem:$0x3FB1]  }
0x2f: {  	lr =	sadd.s32 s0, s3;
	s0 =	sld [smem:$0x3FA8]  }
0x30: {  	s3 =	sld [smem:$0x3FAB]  }
0x31: {  	[smem:$0x3FB4] =	sst s10  }
0x32: {  	s10 =	sld [smem:$0x3FB2];
	_ =	sdelay $0x3  }
0x33: {  	p0 =	seq.s32 s10, $0x1;
	s10 =	sld [smem:$0x3FB4];
	_ =	sdelay $0x3  }
0x34: {  	[smem:$0x3FB4] =	sst s10  }
0x35: {  	s10 =	sld [smem:$0x3FB3];
	_ =	sdelay $0x3  }
0x36: {  	p1 =	seq.s32 s10, $0x1;
	s10 =	sld [smem:$0x3FB4];
	_ =	sdelay $0x3  }
0x37: {  	[smem:$0x3FB4] =	sst s10  }
0x38: {  	s10 =	sld [smem:$0x3FB5]  }
0x39: {  	_ = 	snop;
	(pc) =	sbr.ind lr, $3  }
0x3a: {  	_ = 	snop  }
0x3b: {  	_ = 	snop  }
0x3c: {  	p2 =	seq.s32 s10, $0x1;
	s10 =	sld [smem:$0x3FB4]  }
0x3d: {  	_ =	shalt  }
0x3e: {  	_ =	shalt  }
0x3f: {  	_ =	shalt  }
0x40: {  	_ =	shalt  }
0x41: {  	_ =	shalt  }
0x42: {  	_ =	shalt  }
0x43: {  	_ =	shalt  }
0x44: {  	_ =	shalt  }
0x45: {  	_ =	shalt  }
0x46: {  	_ =	shalt  }
0x47: {  	_ =	shalt  }
0x48: {  	_ =	shalt  }
0x49: {  	_ =	shalt  }
0x4a: {  	_ =	shalt  }
0x4b: {  	_ =	shalt  }
0x4c: {  	_ =	shalt  }
0x4d: {  	_ =	shalt  }
0x4e: {  	_ =	shalt  }
0x4f: {  	_ =	shalt  }
0x50: {  	_ =	shalt  }
0x51: {  	_ =	shalt  }
0x52: {  	_ =	shalt  }
0x53: {  	_ =	shalt  }
0x54: {  	_ =	shalt  }
0x55: {  	_ =	shalt  }
0x56: {  	_ =	shalt  }
0x57: {  	_ =	shalt  }
0x58: {  	_ =	shalt  }
0x59: {  	_ =	shalt  }
0x5a: {  	_ =	shalt  }
0x5b: {  	_ =	shalt  }
0x5c: {  	_ =	shalt  }
0x5d: {  	_ =	shalt  }
0x5e: {  	_ =	shalt  }
0x5f: {  	_ =	shalt  }
0x60: {  	_ =	shalt  }
0x61: {  	_ =	shalt  }
0x62: {  	_ =	shalt  }
0x63: {  	_ =	shalt  }
0x64: {  	_ =	shalt  }
0x65: {  	_ =	shalt  }
0x66: {  	_ =	shalt  }
0x67: {  	_ =	shalt  }
0x68: {  	_ =	shalt  }
0x69: {  	_ =	shalt  }
0x6a: {  	_ =	shalt  }
0x6b: {  	_ =	shalt  }
0x6c: {  	_ =	shalt  }
0x6d: {  	_ =	shalt  }
0x6e: {  	_ =	shalt  }
0x6f: {  	_ =	shalt  }
0x70: {  	_ =	shalt  }
0x71: {  	_ =	shalt  }
0x72: {  	_ =	shalt  }
0x73: {  	_ =	shalt  }
0x74: {  	_ =	shalt  }
0x75: {  	_ =	shalt  }
0x76: {  	_ =	shalt  }
0x77: {  	_ =	shalt  }
0x78: {  	_ =	shalt  }
0x79: {  	_ =	shalt  }
0x7a: {  	_ =	shalt  }
0x7b: {  	_ =	shalt  }
0x7c: {  	_ =	shalt  }
0x7d: {  	_ =	shalt  }
0x7e: {  	_ =	shalt  }
0x7f: {  	_ =	shalt  }
0x80: {  	_ =	shalt  }
0x81: {  	_ =	shalt  }
0x82: {  	_ =	shalt  }
0x83: {  	_ =	shalt  }
0x84: {  	_ =	shalt  }
0x85: {  	_ =	shalt  }
0x86: {  	_ =	shalt  }
0x87: {  	_ =	shalt  }
.Lfunc_end0:
.L_simem_size_0:
called_computation_lowered:
.L_overlay_start_0:
0x88: {  	s2 =	sld [smem:$0x3FD9]  }
0x89: {  	s3 =	sld [smem:$0x3FFE];
	_ =	sdelay $0x1  }
0x8a: {  	s1 =	srdreg.scid  }
0x8b: {  	s0 =	sand.u32 $0x1, s1  }
0x8c: {  	s16 =	sshll.u32 s0, $0xA;
	s2 =	sadd.s32 s3, s2  }
0x8d: {  	s2 =	sadd.s32 s2, s16  }
0x8e: {  	[smem:$0x3FC0] =	sst s2  }
0x8f: {  	_ = 	snop  }
0x90: {  	(tm) =	ssettm $0x1  }
0x91: {  	s17 =	sld [smem:$0x3FFB];
	_ =	sdelay $0x3  }
0x92: {  	_ =	strace s17  }
0x93: {  	s2 =	sld [smem:$0x3FFC];
	_ =	sdelay $0x3  }
0x94: {  	_ =	strace s2  }
0x95: {  	s2 =	sld [smem:$0x3FFD];
	_ =	sdelay $0x3  }
0x96: {  	_ =	strace s2  }
0x97: {  	_ =	strace $0x8FFFFFFF  }
0x98: {  	s18 =	sld [smem:$0x3FDB];
	_ =	sdelay $0x1  }
0x99: {  	s19 =	simm.s32 $_scs_section_size  }
0x9a: {  	s4 =	simm.s32 $_size__tile_overlayer_lowered;
	s5 =	simm.s32 $_tile_overlayer_lowered  }
0x9b: {  	s22 =	simm.s32 $0x1BFF;
	s21 =	sshll.u32 s5, $0x1;
	s2 =	sadd.s32 s19, s18  }
0x9c: {  	s6 =	simm.s32 $0x0;
	s20 =	sshll.u32 s4, $0x1;
	s4 =	sadd.s32 s21, s2  }
0x9d: {  	[timem:s6], [sflag:s22] =	dma.local [hbm:s4], s20  }
0x9e: {  	_ =	swait.ge [sflag:s22], s20  }
0x9f: {  	s3 =	ssub.s32 $0x0, s20;
	[sflag:s22] =	ssyncset.done $0x0  }
0xa0: {  	[sflag:s22] =	ssyncadd.s32 s3;
	_ =	sdelay $0x1  }
0xa1: {  	s23 =	simm.s32 $0x1B8B  }
0xa2: {  	_ =	swait.ge [sflag:s23], $0x1  }
0xa3: {  	[sflag:s23] =	ssyncset.done $0x0  }
0xa4: {  	s25 =	simm.s32 $0x1B8E;
	s24 =	sld [smem:$0x3FFE];
	[sflag:s23] =	ssyncadd.s32 $0xFFFFFFFF  }
0xa5: {  	s26 =	simm.s32 $execute0_lowered;
	[smem:$0x3FD2] =	sst s25  }
0xa6: {  	s4 =	sshll.u32 s26, $0x1;
	_ =	strace $0x80000046;
	[dreg:$0x1] =	wrdreg $0xFFFFFFFF  }
0xa7: {  	s28 =	simm.s32 $_size_execute0_lowered;
	s2 =	sadd.s32 s2, s4;
	[dreg:$0x0] =	wrdreg $0x0  }
0xa8: {  	s4 =	sshll.u32 s28, $0x1;
	[dreg:$0x2] =	wrdreg s2  }
0xa9: {  	[dreg:$0x3] =	wrdreg s4  }
0xaa: {  	[dreg:$0x4] =	wrdreg $0xC0  }
0xab: {  	_ =	task [dreg:s6], $0x5FFFF  }
0xac: {  	[dreg:$0x1] =	wrdreg $0xFFFFFFFF  }
0xad: {  	[dreg:$0x0] =	wrdreg $0x60  }
0xae: {  	[dreg:$0x2] =	wrdreg s24  }
0xaf: {  	[dreg:$0x3] =	wrdreg $0x9F300  }
0xb0: {  	[dreg:$0x4] =	wrdreg $0x9  }
0xb1: {  	_ =	task.clear_ibuf [dreg:s6], $0x5FFFF;
	_ =	strace $0x90000046  }
0xb2: {  	s29 =	simm.s32 $0x9;
	_ =	strace $0x80000048  }
0xb3: {  	_ =	swait.ge [sflag:s29], $0x1  }
0xb4: {  	[sflag:s29] =	ssyncadd.s32 $0xFFFFFFFF  }
0xb5: {  	_ =	strace $0x90000048  }
0xb6: {  	_ =	sfence  }
0xb7: {  	s30 =	sld [smem:$0x0];
	_ =	sdelay $0x2  }
0xb8: {  	s31 =	sshll.u32 s1, $0xD;
	s1 =	sshrl.u32 s1, $0x2  }
0xb9: {  	s3 =	sand.u32 $0x4000, s31;
	s1 =	sadd.s32 s1, s30  }
0xba: {  	s0 =	sor.u32 s3, s0;
	s1 =	sshll.u32 s1, $0x11  }
0xbb: {  	s0 =	sor.u32 s1, s0  }
0xbc: {  	s0 =	sadd.s32 $0x8F2B, s0  }
0xbd: {  	[sflag:s0] =	ssyncadd.remote.s32 $0x1  }
0xbe: {  	_ =	sfence.sel $0xFFFF  }
0xbf: {  	[dreg:$0x0] =	wrdreg $0xFFFFFFFF;
	(pc) =	sbr.abs _section_cstart, $3  }
0xc0: {  	[dreg:$0x1] =	wrdreg $0xFFFFFFFF  }
0xc1: {  	_ =	task.clear_ibuf [dreg:s6], $0x2FFFF;
	_ =	strace $0x9FFFFFFF  }
0xc2: {  	(tm) =	ssettm $0x7FFFFFFF  }
0xc3: {  	_ =	shalt  }
tec
execute0_lowered:
.L_overlay_start_1:
0x0: {  	(tag) =	ssettag $0x1  }
0x1: {  	s1 =	srdreg.scid;
	s6 =	rddreg [dreg:$0x0]  }
0x2: {  	s0 =	stileid.u32;
	s2 =	rddreg [dreg:$0x1];
	s3 =	simm.s32 $0x0  }
0x3: {  	s18 =	simm.s32 $0x4E30;
	s19 =	simm.s32 $0x2;
	s20 =	simm.s32 $0x1  }
0x4: {  	s21 =	simm.s32 $0x48;
	s22 =	simm.s32 $0x4DE8;
	s10 =	smul.u32 $0x16020, s0  }
0x5: {  	s5 =	sand.u32 $0x1, s1;
	s26 =	sshll.u32 s0, $0x1;
	s9 =	smul.u32 $0x58080, s0  }
0x6: {  	[smem:$0x7FF] =	sst s3;
	s1 =	sor.u32 s5, s26;
	s8 =	smul.u32 $0x160200, s5  }
0x7: {  	s4 =	sadd.s32 $0x1600, s6;
	s29 =	ssub.s32 $0x2, s5;
	s7 =	smul.u32 $0x4E3, s1  }
0x8: {  	s1 =	rddreg [dreg:$0x2];
	_ =	strace $0x80000047;
	s30 =	sshrl.u32 s9, $0x2  }
0x9: {  	s31 =	sshrl.u32 s29, $0x1;
	s23 =	sadd.s32 s10, s2;
	s28 =	sadd.s32 s10, s8  }
0xa: {  	s5 =	sadd.s32 s30, s2;
	s13 =	ssub.s32 s29, s31;
	s23 =	sshrl.u32 s23, $0x3  }
0xb: {  	s11 =	sadd.s32 s7, s6;
	s7 =	sshrl.u32 s28, $0x3;
	s10 =	smax.u32 s13, $0x1  }
0xc: {  	s13 =	sadd.s32 $0x7980, s5;
	s14 =	sadd.s32 $0xA200, s5;
	s15 =	sadd.s32 $0xCA80, s5  }
0xd: {  	s16 =	sadd.s32 $0xF300, s5;
	s17 =	sadd.s32 $0x11B80, s5;
	s12 =	sadd.s32 s7, s6  }
0xe: {  	s6 =	sadd.s32 $0x14400, s5;
	s7 =	sadd.s32 $0x37400, s11;
	s8 =	sadd.s32 $0x2D600, s11  }
0xf: {  	v0 =	vimm.f32 $0.0e+00;
	s11 =	sadd.s32 $0x2880, s5;
	s9 =	sadd.s32 $0x41200, s12;
	s12 =	sadd.s32 $0x5100, s5  }
.LBB2_1:
0x10: {  	s24 =	simm.s32 $0x0;
	s25 =	simm.s32 $0x240  }
.LBB2_2:
0x11: {  	p0 =	sne.s32 s25, $0x9FC0;
	[tilespmem:s24+$0x4EB0] =	vst v0  }
0x12: {  	[tilespmem:s24+$0x4E30] =	vst v0  }
0x13: {  	[tilespmem:s24+$0x4E40] =	vst v0  }
0x14: {  	[tilespmem:s24+$0x4E50] =	vst v0  }
.Ltmp0:
0x15: {  	[tilespmem:s24+$0x4E60] =	vst v0;
	(pc) =	sbr.rel @p0 .LBB2_2-.Ltmp0, $4  }
0x16: {  	[tilespmem:s24+$0x4E70] =	vst v0  }
0x17: {  	[tilespmem:s24+$0x4E80] =	vst v0  }
0x18: {  	[tilespmem:s24+$0x4E90] =	vst v0  }
0x19: {  	[tilespmem:s24+$0x4EA0] =	vst v0;
	s24 =	sshra.s32 s25, $0x2;
	s25 =	sadd.s32 $0x240, s25  }
0x1a: {  	[tilespmem:s24+$0x4EB0] =	vst v0  }
0x1b: {  	[tilespmem:s24+$0x4E30] =	vst v0  }
0x1c: {  	[tilespmem:s24+$0x4E40] =	vst v0  }
0x1d: {  	[tilespmem:s24+$0x4E50] =	vst v0  }
0x1e: {  	[tilespmem:s24+$0x4E60] =	vst v0  }
0x1f: {  	[tilespmem:s24+$0x4E70] =	vst v0  }
0x20: {  	[tilespmem:s24+$0x4E80] =	vst v0  }
0x21: {  	[tilespmem:s24+$0x4E90] =	vst v0  }
0x22: {  	[tilespmem:s24+$0x4EA0] =	vst v0  }
0x23: {  	[spmem:s5] =	stream.linear.scatter [tilespmem:s18], [sflag:$0x2], $0x2880, $0x38;
	[tilespmem:$0x1FF50] =	vst v63  }
0x24: {  	_ =	swait.ge [sflag:s19], $0x2880  }
0x25: {  	[sflag:s19] =	ssyncset.done $0x0  }
0x26: {  	[sflag:s19] =	ssyncadd.s32 $0xFFFFD780  }
0x27: {  	[spmem:s11] =	stream.linear.scatter [tilespmem:s18], [sflag:$0x2], $0x2880, $0x38;
	[tilespmem:$0x1FF50] =	vst v63  }
0x28: {  	_ =	swait.ge [sflag:s19], $0x2880  }
0x29: {  	[sflag:s19] =	ssyncset.done $0x0  }
0x2a: {  	[sflag:s19] =	ssyncadd.s32 $0xFFFFD780  }
0x2b: {  	[spmem:s12] =	stream.linear.scatter [tilespmem:s18], [sflag:$0x2], $0x2880, $0x38;
	[tilespmem:$0x1FF50] =	vst v63  }
0x2c: {  	_ =	swait.ge [sflag:s19], $0x2880  }
0x2d: {  	[sflag:s19] =	ssyncset.done $0x0  }
0x2e: {  	[sflag:s19] =	ssyncadd.s32 $0xFFFFD780  }
0x2f: {  	[spmem:s13] =	stream.linear.scatter [tilespmem:s18], [sflag:$0x2], $0x2880, $0x38;
	[tilespmem:$0x1FF50] =	vst v63  }
0x30: {  	_ =	swait.ge [sflag:s19], $0x2880  }
0x31: {  	[sflag:s19] =	ssyncset.done $0x0  }
0x32: {  	[sflag:s19] =	ssyncadd.s32 $0xFFFFD780  }
0x33: {  	[spmem:s14] =	stream.linear.scatter [tilespmem:s18], [sflag:$0x2], $0x2880, $0x38;
	[tilespmem:$0x1FF50] =	vst v63  }
0x34: {  	_ =	swait.ge [sflag:s19], $0x2880  }
0x35: {  	[sflag:s19] =	ssyncset.done $0x0  }
0x36: {  	[sflag:s19] =	ssyncadd.s32 $0xFFFFD780  }
0x37: {  	[spmem:s15] =	stream.linear.scatter [tilespmem:s18], [sflag:$0x2], $0x2880, $0x38;
	[tilespmem:$0x1FF50] =	vst v63  }
0x38: {  	_ =	swait.ge [sflag:s19], $0x2880  }
0x39: {  	[sflag:s19] =	ssyncset.done $0x0  }
0x3a: {  	[sflag:s19] =	ssyncadd.s32 $0xFFFFD780  }
0x3b: {  	[spmem:s16] =	stream.linear.scatter [tilespmem:s18], [sflag:$0x2], $0x2880, $0x38;
	[tilespmem:$0x1FF50] =	vst v63  }
0x3c: {  	_ =	swait.ge [sflag:s19], $0x2880  }
0x3d: {  	[sflag:s19] =	ssyncset.done $0x0  }
0x3e: {  	[sflag:s19] =	ssyncadd.s32 $0xFFFFD780  }
0x3f: {  	[spmem:s17] =	stream.linear.scatter [tilespmem:s18], [sflag:$0x2], $0x2880, $0x38;
	[tilespmem:$0x1FF50] =	vst v63  }
0x40: {  	_ =	swait.ge [sflag:s19], $0x2880  }
0x41: {  	[sflag:s19] =	ssyncset.done $0x0  }
0x42: {  	[sflag:s19] =	ssyncadd.s32 $0xFFFFD780  }
0x43: {  	[spmem:s6] =	stream.linear.scatter [tilespmem:s18], [sflag:$0x2], $0x1C20, $0x38;
	[tilespmem:$0x1FF50] =	vst v63  }
0x44: {  	_ =	swait.ge [sflag:s19], $0x1C20  }
0x45: {  	[sflag:s19] =	ssyncset.done $0x0  }
0x46: {  	[sflag:s19] =	ssyncadd.s32 $0xFFFFE3E0  }
0x47: {  	s30 =	simm.s32 $0x0;
	[bflag:$0x0] =	sbarrier.arrive $0xFFFF  }
0x48: {  	[tilespmem:s30], [sflag:$0x2] =	stream.linear.gather [hbm4b:s7+s30], $0x2718, $0x38;
	[tilespmem:$0x1FF50] =	vst v63  }
0x49: {  	_ =	swait.ge [sflag:s19], $0x2718  }
0x4a: {  	[sflag:s19] =	ssyncset.done $0x0  }
0x4b: {  	s25 =	simm.s32 $0x2718;
	[sflag:s19] =	ssyncadd.s32 $0xFFFFD8E8  }
0x4c: {  	[tilespmem:s25], [sflag:$0x2] =	stream.linear.gather [hbm4b:s8+s30], $0x2718, $0x38;
	[tilespmem:$0x1FF50] =	vst v63  }
0x4d: {  	s24 =	sand.u32 $0x1, s30;
	_ =	swait.ge [sflag:s19], $0x2718  }
0x4e: {  	s28 =	sxor.u32 $0x1, s24;
	[sflag:s19] =	ssyncset.done $0x0  }
0x4f: {  	s26 =	simm.s32 $0x48;
	s28 =	smul.u32 $0xA200, s28;
	[sflag:s19] =	ssyncadd.s32 $0xFFFFD8E8  }
0x50: {  	[tilespmem:s18], [sflag:$0x1] =	stream.indirect.gather [hbm4b:s4+s26], $0x90, s30, s26, $0xb8;
	[tilespmem:$0x1FF50] =	vst v63  }
0x51: {  	s24 =	smul.u32 $0xA200, s24;
	_ =	swait.ge [sflag:s20], $0x2880  }
0x52: {  	s31 =	simm.s32 $0x1;
	s28 =	sshrl.u32 s28, $0x2;
	[sflag:s20] =	ssyncset.done $0x0  }
0x53: {  	s24 =	sshrl.u32 s24, $0x2;
	s28 =	sadd.s32 $0x4E30, s28;
	[sflag:s20] =	ssyncadd.s32 $0xFFFFD780  }
0x54: {  	[tilespmem:s28], [sflag:$0x1] =	stream.indirect.gather [hbm4b:s4+s21], $0x90, s26, s21, $0xb8;
	[tilespmem:$0x1FF50] =	vst v63  }
0x55: {  	s24 =	sadd.s32 $0x4E30, s24;
	s28 =	simm.s32 $0x2;
	s26 =	sand.u32 $0x1, s31  }
0x56: {  	[spmem:s2] =	stream.indirect.scatter.add.f32 [tilespmem:s24], [sflag:$0x2], $0x90, s25, s21, $0xb8;
	[tilespmem:$0x1FF50] =	vst v63  }
0x57: {  	s24 =	simm.s32 $0x90;
	s25 =	simm.s32 $0x2760;
	_ =	swait.ge [sflag:s19], $0x2880  }
.LBB2_4:
0x58: {  	s29 =	sxor.u32 $0x1, s26  }
0x59: {  	[sflag:s19] =	ssyncset.done $0x0;
	s30 =	smov.u32 s28;
	s31 =	sadd.s32 $0x1, s28  }
0x5a: {  	p0 =	sne.s32 s28, $0x89;
	s28 =	smul.u32 $0xA200, s29;
	[sflag:s19] =	ssyncadd.s32 $0xFFFFD780  }
0x5b: {  	_ =	swait.ge [sflag:s20], $0x2880  }
0x5c: {  	s26 =	smul.u32 $0xA200, s26;
	[sflag:s20] =	ssyncset.done $0x0;
	s28 =	sshrl.u32 s28, $0x2  }
0x5d: {  	[sflag:s20] =	ssyncadd.s32 $0xFFFFD780;
	s28 =	sadd.s32 $0x4E30, s28  }
0x5e: {  	[tilespmem:s28], [sflag:$0x1] =	stream.indirect.gather [hbm4b:s4+s21], $0x90, s24, s21, $0xb8;
	[tilespmem:$0x1FF50] =	vst v63  }
.Ltmp1:
0x5f: {  	_ = 	snop;
	(pc) =	sbr.rel @p0 .LBB2_4-.Ltmp1, $4  }
0x60: {  	s26 =	sshrl.u32 s26, $0x2  }
0x61: {  	s26 =	sadd.s32 $0x4E30, s26;
	s24 =	sadd.s32 $0x48, s24;
	s28 =	smov.u32 s31  }
0x62: {  	[spmem:s2] =	stream.indirect.scatter.add.f32 [tilespmem:s26], [sflag:$0x2], $0x90, s25, s21, $0xb8;
	[tilespmem:$0x1FF50] =	vst v63  }
0x63: {  	s26 =	sand.u32 $0x1, s30;
	s25 =	sadd.s32 $0x48, s25;
	_ =	swait.ge [sflag:s19], $0x2880  }
0x64: {  	s28 =	sxor.u32 $0x1, s26;
	[sflag:s19] =	ssyncset.done $0x0  }
0x65: {  	s28 =	smul.u32 $0xA200, s28;
	[sflag:s19] =	ssyncadd.s32 $0xFFFFD780  }
0x66: {  	s29 =	smul.u32 $0xA200, s26;
	_ =	swait.ge [sflag:s20], $0x2880  }
0x67: {  	[sflag:s20] =	ssyncset.done $0x0;
	s28 =	sshrl.u32 s28, $0x2  }
0x68: {  	s30 =	sshrl.u32 s29, $0x2;
	[sflag:s20] =	ssyncadd.s32 $0xFFFFD780;
	s28 =	sadd.s32 $0x4E30, s28  }
0x69: {  	[tilespmem:s28], [sflag:$0x1] =	stream.indirect.gather [hbm4b:s4+s21], $0x90, s24, s21, $0xb8;
	[tilespmem:$0x1FF50] =	vst v63  }
0x6a: {  	s24 =	sadd.s32 $0x4E30, s30  }
0x6b: {  	[spmem:s2] =	stream.indirect.scatter.add.f32 [tilespmem:s24], [sflag:$0x2], $0x90, s25, s21, $0xb8;
	[tilespmem:$0x1FF50] =	vst v63  }
0x6c: {  	_ =	swait.ge [sflag:s19], $0x2880  }
0x6d: {  	[sflag:s19] =	ssyncset.done $0x0  }
0x6e: {  	[sflag:s19] =	ssyncadd.s32 $0xFFFFD780  }
0x6f: {  	_ =	swait.ge [sflag:s20], $0x2880  }
0x70: {  	[sflag:s20] =	ssyncset.done $0x0  }
0x71: {  	[sflag:s20] =	ssyncadd.s32 $0xFFFFD780  }
0x72: {  	[spmem:s2] =	stream.indirect.scatter.add.f32 [tilespmem:s18], [sflag:$0x2], $0x90, s22, s21, $0xb8;
	[tilespmem:$0x1FF50] =	vst v63  }
0x73: {  	_ =	swait.ge [sflag:s19], $0x2880  }
0x74: {  	s3 =	sadd.s32 $0x1, s3;
	[sflag:s19] =	ssyncset.done $0x0  }
0x75: {  	s31 =	sshll.u32 s0, $0x6;
	p0 =	sne.s32 s3, s10;
	[sflag:s19] =	ssyncadd.s32 $0xFFFFD780  }
.Ltmp2:
0x76: {  	s24 =	sor.u32 $0x1C02, s31;
	[bflag:$0x0] =	sbarrier.arrive $0xFFFF;
	(pc) =	sbr.rel @p0 .LBB2_1-.Ltmp2, $4  }
0x77: {  	[hbm:s9], [sflag:s24] =	dma.local [spmem:s23], $0x2C04  }
0x78: {  	_ =	swait.ge [sflag:s19], $0x2C04  }
0x79: {  	[sflag:s19] =	ssyncset.done $0x0  }
0x7a: {  	[sflag:s19] =	ssyncadd.s32 $0xFFFFD3FC  }
0x7b: {  	_ =	sfence.sel $0x180000  }
0x7c: {  	[bflag:$0x0] =	sbarrier.arrive $0xFFFF  }
0x7d: {  	p0 =	sne.s32 s0, $0x0;
	_ =	strace $0x90000047  }
0x7e: {  	s0 =	sadd.s32 @!p0 $0x100000, s1;
	[bflag:$0x2] =	sbarrier.arrive $0xFFFF  }
0x7f: {  	[sflag:s0] =	ssyncadd.tile.s32 @!p0 $0x1;
	_ =	shalt  }
.Lfunc_end2:
_tile_overlayer_lowered:
.L_overlay_start_2:
0x80: {  	(tag) =	ssettag $0x2  }
0x81: {  	s0 =	rddreg [dreg:$0x0];
	s2 =	stileid.u32  }
0x82: {  	s1 =	rddreg [dreg:$0x1];
	p0 =	sne.s32 s2, $0x0  }
0x83: {  	s3 =	rddreg [dreg:$0x2];
	[bflag:$0x3] =	sbarrier.arrive $0xFFFF;
	s2 =	simm.s32 @!p0 $0x1C02  }
0x84: {  	[timem:s3], [sflag:s2] =	dma.local @!p0 [hbm:s0], s1  }
0x85: {  	s0 =	simm.s32 @!p0 $0x2  }
0x86: {  	_ =	swait.ge @!p0 [sflag:s0], s1  }
0x87: {  	s1 =	ssub.s32 @!p0 $0x0, s1;
	[sflag:s0] =	ssyncset.done @!p0 $0x0  }
0x88: {  	[sflag:s0] =	ssyncadd.s32 @!p0 s1  }
0x89: {  	[bflag:$0x3] =	sbarrier.arrive $0xFFFF  }
0x8a: {  	_ =	shalt  }

// kernel: kernel.9.cloned.1.call-start
scs
__scs_entry_jumppad:
0x0: {  	(pc) =	sbr.rel $0x88, $3  }
0x1: {  	(tag) =	ssettag $0x0;
	lr =	simm.s32 $0x1  }
0x2: {  	[smem:$0x3F99] =	sst lr;
	_ =	strace $0xD0000000  }
0x3: {  	_ = 	snop  }
0x4: {  	_ = 	snop  }
0x5: {  	_ = 	snop  }
0x6: {  	_ = 	snop  }
0x7: {  	_ = 	snop  }
__scs_overlays_trampoline_lowered:
0x8: {  	[smem:$0x3FA8] =	sst s0  }
0x9: {  	[smem:$0x3FA9] =	sst s1  }
0xa: {  	[smem:$0x3FAA] =	sst s2  }
0xb: {  	[smem:$0x3FAB] =	sst s3  }
0xc: {  	[smem:$0x3FAC] =	sst s4  }
0xd: {  	[smem:$0x3FAD] =	sst s5  }
0xe: {  	[smem:$0x3FAE] =	sst s6  }
0xf: {  	[smem:$0x3FAF] =	sst s7  }
0x10: {  	[smem:$0x3FB0] =	sst s8  }
0x11: {  	[smem:$0x3FB1] =	sst s9;
	s0 =	simm.s32 @!p0 $0x0  }
0x12: {  	s1 =	sld [smem:$0x3F97];
	s0 =	simm.s32 @p0 $0x1  }
0x13: {  	[smem:$0x3FB2] =	sst s0;
	s0 =	simm.s32 @!p1 $0x0  }
0x14: {  	s2 =	sld [smem:$0x3F96];
	s0 =	simm.s32 @p1 $0x1  }
0x15: {  	[smem:$0x3FB3] =	sst s0;
	s0 =	simm.s32 @!p2 $0x0  }
0x16: {  	s3 =	sld [smem:$0x3FDB];
	s0 =	simm.s32 @p2 $0x1  }
0x17: {  	s4 =	simm.s32 $0x1BF5;
	[smem:$0x3FB5] =	sst s0  }
0x18: {  	s0 =	sld [smem:$0x3F98];
	_ =	swait.ge [sflag:s4], $0x0  }
0x19: {  	s7 =	sld [smem:$0x3F99]  }
0x1a: {  	s8 =	sadd.s32 $0xFFFFE003, lr  }
0x1b: {  	s9 =	sadd.s32 $0xFFFFFEF7, lr;
	s5 =	simm.s32 $0xFFFFFFFF;
	p2 =	slt.u32 s8, $0xFFFFF086  }
0x1c: {  	p1 =	slt.u32 s9, $0xF7A;
	s5 =	simm.s32 @!p2 $0x0  }
0x1d: {  	s5 =	simm.s32 @p1 $0x1;
	p0 =	seq.s32 s7, s2  }
0x1e: {  	s7 =	smul.u32 @!p0 $0xF7A, s2;
	p2 =	seq.s32 @!p0 s5, $0x0  }
0x1f: {  	s9 =	smul.u32 $0xF7A, s1;
	s8 =	simm.s32 @!p0 $0x1BF5;
	p2 =	por !p2, p0  }
0x20: {  	[sflag:s8] =	ssyncset.s32 @!p0 $0xFFFFF086;
	s6 =	sadd.s32 @!p0 s3, s7;
	s7 =	simm.s32 @!p0 $0x108  }
0x21: {  	s3 =	sadd.s32 s3, s9;
	s6 =	sadd.s32 @!p0 $0x88, s6;
	s7 =	simm.s32 @p2 $0x1082  }
0x22: {  	[simem:s7], [sflag:s8] =	dma.local @!p0 [hbm:s6], $0xF7A  }
0x23: {  	s9 =	sor.u32 $0xD0000000, s2;
	s6 =	simm.s32 $0x108;
	_ =	swait.ge @!p0 [sflag:s8], $0x0  }
0x24: {  	s3 =	sadd.s32 $0x88, s3;
	s6 =	simm.s32 @!p1 $0x1082;
	[sflag:s4] =	ssyncset.s32 $0xFFFFF086  }
0x25: {  	[simem:s6], [sflag:s4] =	dma.local [hbm:s3], $0xF7A  }
0x26: {  	[smem:$0x3F99] =	sst s1;
	(tag) =	ssettag s2;
	_ =	strace s9  }
0x27: {  	s1 =	sld [smem:$0x3FA9]  }
0x28: {  	s2 =	sld [smem:$0x3FAA]  }
0x29: {  	s4 =	sld [smem:$0x3FAC]  }
0x2a: {  	p0 =	seq.s32 s5, $0x0;
	s5 =	sld [smem:$0x3FAD]  }
0x2b: {  	s6 =	sld [smem:$0x3FAE]  }
0x2c: {  	s7 =	sld [smem:$0x3FAF]  }
0x2d: {  	s3 =	simm.s32 $0x108;
	s8 =	sld [smem:$0x3FB0]  }
0x2e: {  	s3 =	simm.s32 @!p0 $0x1082;
	s9 =	sld [smem:$0x3FB1]  }
0x2f: {  	lr =	sadd.s32 s0, s3;
	s0 =	sld [smem:$0x3FA8]  }
0x30: {  	s3 =	sld [smem:$0x3FAB]  }
0x31: {  	[smem:$0x3FB4] =	sst s10  }
0x32: {  	s10 =	sld [smem:$0x3FB2];
	_ =	sdelay $0x3  }
0x33: {  	p0 =	seq.s32 s10, $0x1;
	s10 =	sld [smem:$0x3FB4];
	_ =	sdelay $0x3  }
0x34: {  	[smem:$0x3FB4] =	sst s10  }
0x35: {  	s10 =	sld [smem:$0x3FB3];
	_ =	sdelay $0x3  }
0x36: {  	p1 =	seq.s32 s10, $0x1;
	s10 =	sld [smem:$0x3FB4];
	_ =	sdelay $0x3  }
0x37: {  	[smem:$0x3FB4] =	sst s10  }
0x38: {  	s10 =	sld [smem:$0x3FB5]  }
0x39: {  	_ = 	snop;
	(pc) =	sbr.ind lr, $3  }
0x3a: {  	_ = 	snop  }
0x3b: {  	_ = 	snop  }
0x3c: {  	p2 =	seq.s32 s10, $0x1;
	s10 =	sld [smem:$0x3FB4]  }
0x3d: {  	_ =	shalt  }
0x3e: {  	_ =	shalt  }
0x3f: {  	_ =	shalt  }
0x40: {  	_ =	shalt  }
0x41: {  	_ =	shalt  }
0x42: {  	_ =	shalt  }
0x43: {  	_ =	shalt  }
0x44: {  	_ =	shalt  }
0x45: {  	_ =	shalt  }
0x46: {  	_ =	shalt  }
0x47: {  	_ =	shalt  }
0x48: {  	_ =	shalt  }
0x49: {  	_ =	shalt  }
0x4a: {  	_ =	shalt  }
0x4b: {  	_ =	shalt  }
0x4c: {  	_ =	shalt  }
0x4d: {  	_ =	shalt  }
0x4e: {  	_ =	shalt  }
0x4f: {  	_ =	shalt  }
0x50: {  	_ =	shalt  }
0x51: {  	_ =	shalt  }
0x52: {  	_ =	shalt  }
0x53: {  	_ =	shalt  }
0x54: {  	_ =	shalt  }
0x55: {  	_ =	shalt  }
0x56: {  	_ =	shalt  }
0x57: {  	_ =	shalt  }
0x58: {  	_ =	shalt  }
0x59: {  	_ =	shalt  }
0x5a: {  	_ =	shalt  }
0x5b: {  	_ =	shalt  }
0x5c: {  	_ =	shalt  }
0x5d: {  	_ =	shalt  }
0x5e: {  	_ =	shalt  }
0x5f: {  	_ =	shalt  }
0x60: {  	_ =	shalt  }
0x61: {  	_ =	shalt  }
0x62: {  	_ =	shalt  }
0x63: {  	_ =	shalt  }
0x64: {  	_ =	shalt  }
0x65: {  	_ =	shalt  }
0x66: {  	_ =	shalt  }
0x67: {  	_ =	shalt  }
0x68: {  	_ =	shalt  }
0x69: {  	_ =	shalt  }
0x6a: {  	_ =	shalt  }
0x6b: {  	_ =	shalt  }
0x6c: {  	_ =	shalt  }
0x6d: {  	_ =	shalt  }
0x6e: {  	_ =	shalt  }
0x6f: {  	_ =	shalt  }
0x70: {  	_ =	shalt  }
0x71: {  	_ =	shalt  }
0x72: {  	_ =	shalt  }
0x73: {  	_ =	shalt  }
0x74: {  	_ =	shalt  }
0x75: {  	_ =	shalt  }
0x76: {  	_ =	shalt  }
0x77: {  	_ =	shalt  }
0x78: {  	_ =	shalt  }
0x79: {  	_ =	shalt  }
0x7a: {  	_ =	shalt  }
0x7b: {  	_ =	shalt  }
0x7c: {  	_ =	shalt  }
0x7d: {  	_ =	shalt  }
0x7e: {  	_ =	shalt  }
0x7f: {  	_ =	shalt  }
0x80: {  	_ =	shalt  }
0x81: {  	_ =	shalt  }
0x82: {  	_ =	shalt  }
0x83: {  	_ =	shalt  }
0x84: {  	_ =	shalt  }
0x85: {  	_ =	shalt  }
0x86: {  	_ =	shalt  }
0x87: {  	_ =	shalt  }
.Lfunc_end0:
.L_simem_size_0:
called_computation.1_lowered:
.L_overlay_start_0:
0x88: {  	s2 =	sld [smem:$0x3FD9]  }
0x89: {  	s3 =	sld [smem:$0x3FFE];
	_ =	sdelay $0x1  }
0x8a: {  	s1 =	srdreg.scid  }
0x8b: {  	s0 =	sand.u32 $0x1, s1  }
0x8c: {  	s17 =	sshll.u32 s0, $0xA;
	s2 =	sadd.s32 s3, s2  }
0x8d: {  	s2 =	sadd.s32 s2, s17  }
0x8e: {  	[smem:$0x3FC0] =	sst s2  }
0x8f: {  	_ = 	snop  }
0x90: {  	s2 =	sld [smem:$0x3FD0];
	(tm) =	ssettm $0x1  }
0x91: {  	s18 =	sld [smem:$0x3FFB];
	_ =	sdelay $0x3  }
0x92: {  	_ =	strace s18  }
0x93: {  	s3 =	sld [smem:$0x3FFC];
	_ =	sdelay $0x3  }
0x94: {  	_ =	strace s3  }
0x95: {  	s3 =	sld [smem:$0x3FFD];
	_ =	sdelay $0x3  }
0x96: {  	_ =	strace s3  }
0x97: {  	_ =	strace $0x8FFFFFFF  }
0x98: {  	s19 =	sld [smem:$0x3FDB];
	_ =	sdelay $0x1  }
0x99: {  	s4 =	simm.s32 $_scs_section_size  }
0x9a: {  	s5 =	simm.s32 $_size__tile_overlayer_lowered;
	s6 =	simm.s32 $_tile_overlayer_lowered  }
0x9b: {  	s22 =	simm.s32 $0x1BFF;
	s21 =	sshll.u32 s6, $0x1;
	s3 =	sadd.s32 s4, s19  }
0x9c: {  	s7 =	simm.s32 $0x0;
	s20 =	sshll.u32 s5, $0x1;
	s5 =	sadd.s32 s21, s3  }
0x9d: {  	[timem:s7], [sflag:s22] =	dma.local [hbm:s5], s20  }
0x9e: {  	_ =	swait.ge [sflag:s22], s20  }
0x9f: {  	s4 =	ssub.s32 $0x0, s20;
	[sflag:s22] =	ssyncset.done $0x0  }
0xa0: {  	[sflag:s22] =	ssyncadd.s32 s4;
	_ =	sdelay $0x1  }
0xa1: {  	s23 =	simm.s32 $0x1B8B  }
0xa2: {  	_ =	swait.ge [sflag:s23], $0x1  }
0xa3: {  	[sflag:s23] =	ssyncset.done $0x0  }
0xa4: {  	s25 =	simm.s32 $0x1B8E;
	s24 =	sld [smem:$0x3FFE];
	[sflag:s23] =	ssyncadd.s32 $0xFFFFFFFF  }
0xa5: {  	s26 =	simm.s32 $execute0_lowered;
	[smem:$0x3FD2] =	sst s25  }
0xa6: {  	s5 =	sshll.u32 s26, $0x1;
	_ =	strace $0x80000049;
	[dreg:$0x1] =	wrdreg $0xFFFFFFFF  }
0xa7: {  	s28 =	simm.s32 $_size_execute0_lowered;
	s3 =	sadd.s32 s3, s5;
	[dreg:$0x0] =	wrdreg $0x0  }
0xa8: {  	s5 =	sshll.u32 s28, $0x1;
	[dreg:$0x2] =	wrdreg s3  }
0xa9: {  	[dreg:$0x3] =	wrdreg s5  }
0xaa: {  	[dreg:$0x4] =	wrdreg $0xC0  }
0xab: {  	_ =	task [dreg:s7], $0x5FFFF  }
0xac: {  	[dreg:$0x1] =	wrdreg $0xFFFFFFFF  }
0xad: {  	[dreg:$0x0] =	wrdreg $0x60  }
0xae: {  	[dreg:$0x2] =	wrdreg s24  }
0xaf: {  	[dreg:$0x3] =	wrdreg s2  }
0xb0: {  	[dreg:$0x4] =	wrdreg $0x7F000  }
0xb1: {  	[dreg:$0x5] =	wrdreg $0x9  }
0xb2: {  	_ =	task.clear_ibuf [dreg:s7], $0x6FFFF;
	_ =	strace $0x90000049  }
0xb3: {  	s29 =	simm.s32 $0x9;
	_ =	strace $0x8000004B  }
0xb4: {  	_ =	swait.ge [sflag:s29], $0x1  }
0xb5: {  	[sflag:s29] =	ssyncadd.s32 $0xFFFFFFFF  }
0xb6: {  	_ =	strace $0x9000004B  }
0xb7: {  	_ =	sfence  }
0xb8: {  	s30 =	sld [smem:$0x0];
	_ =	sdelay $0x2  }
0xb9: {  	s31 =	sshll.u32 s1, $0xD;
	s1 =	sshrl.u32 s1, $0x2  }
0xba: {  	s3 =	sand.u32 $0x4000, s31;
	s1 =	sadd.s32 s1, s30  }
0xbb: {  	s0 =	sor.u32 s3, s0;
	s1 =	sshll.u32 s1, $0x11  }
0xbc: {  	s0 =	sor.u32 s1, s0  }
0xbd: {  	s0 =	sadd.s32 $0x8F2B, s0  }
0xbe: {  	[sflag:s0] =	ssyncadd.remote.s32 $0x1  }
0xbf: {  	_ =	sfence.sel $0xFFFF  }
0xc0: {  	[dreg:$0x0] =	wrdreg $0xFFFFFFFF;
	(pc) =	sbr.abs _section_cstart, $3  }
0xc1: {  	[dreg:$0x1] =	wrdreg $0xFFFFFFFF  }
0xc2: {  	_ =	task.clear_ibuf [dreg:s7], $0x2FFFF;
	_ =	strace $0x9FFFFFFF  }
0xc3: {  	(tm) =	ssettm $0x7FFFFFFF  }
tec
execute0_lowered:
.L_overlay_start_1:
0x0: {  	(tag) =	ssettag $0x1  }
0x1: {  	s5 =	rddreg [dreg:$0x0]  }
0x2: {  	s1 =	srdreg.scid;
	s7 =	rddreg [dreg:$0x1]  }
0x3: {  	s0 =	stileid.u32;
	s2 =	rddreg [dreg:$0x2]  }
0x4: {  	s3 =	simm.s32 $0x0;
	s14 =	simm.s32 $0x4F00;
	s15 =	simm.s32 $0x2  }
0x5: {  	s16 =	simm.s32 $0x1;
	s17 =	simm.s32 $0x80;
	s18 =	simm.s32 $0x4E80  }
0x6: {  	s6 =	sand.u32 $0x1, s1;
	s31 =	sshll.u32 s0, $0x1;
	s10 =	smul.u32 $0x7560, s0  }
0x7: {  	[smem:$0x7FF] =	sst s3;
	s4 =	sadd.s32 $0x28800, s5;
	s11 =	smul.u32 $0x1D580, s0  }
0x8: {  	s1 =	sor.u32 s6, s31;
	s9 =	smul.u32 $0x75600, s6;
	s6 =	ssub.s32 $0x2, s6  }
0x9: {  	s8 =	smul.u32 $0x4F0, s1;
	s1 =	rddreg [dreg:$0x3];
	_ =	strace $0x8000004A  }
0xa: {  	s13 =	sshrl.u32 s6, $0x1;
	s11 =	sshrl.u32 s11, $0x2;
	s19 =	sadd.s32 s10, s2  }
0xb: {  	s9 =	sadd.s32 s10, s9;
	s13 =	ssub.s32 s6, s13;
	s19 =	sshrl.u32 s19, $0x3  }
0xc: {  	s12 =	sadd.s32 s8, s5;
	s9 =	sshrl.u32 s9, $0x3;
	s7 =	sadd.s32 s7, s8  }
0xd: {  	s10 =	smax.u32 s13, $0x1;
	s9 =	sadd.s32 s9, s5;
	s5 =	sadd.s32 s11, s2  }
0xe: {  	s8 =	sadd.s32 $0x99400, s12;
	s6 =	sadd.s32 $0x6000, s5;
	s9 =	sadd.s32 $0x37400, s9  }
0xf: {  	v0 =	vimm.f32 $0.0e+00;
	s11 =	sadd.s32 $0x1800, s5;
	s12 =	sadd.s32 $0x3000, s5;
	s13 =	sadd.s32 $0x4800, s5  }
.LBB2_1:
0x10: {  	s20 =	simm.s32 $0xC0;
	s21 =	simm.s32 $0x0  }
.LBB2_2:
0x11: {  	p0 =	sne.s32 s20, $0x5F40;
	[tilespmem:s21+$0x4F20] =	vst v0;
	s22 =	smov.u32 s20;
	s20 =	sadd.s32 $0xC0, s20  }
.Ltmp0:
0x12: {  	[tilespmem:s21+$0x4F00] =	vst v0;
	(pc) =	sbr.rel @p0 .LBB2_2-.Ltmp0, $2  }
0x13: {  	[tilespmem:s21+$0x4F10] =	vst v0;
	_ =	sdelay $0x2  }
0x14: {  	s21 =	sshra.s32 s22, $0x2  }
0x15: {  	[tilespmem:s21+$0x4F20] =	vst v0  }
0x16: {  	[tilespmem:s21+$0x4F00] =	vst v0  }
0x17: {  	[tilespmem:s21+$0x4F10] =	vst v0  }
0x18: {  	[spmem:s5] =	stream.linear.scatter [tilespmem:s14], [sflag:$0x2], $0x1800, $0x38;
	[tilespmem:$0xF460] =	vst v63  }
0x19: {  	_ =	swait.ge [sflag:s15], $0x1800  }
0x1a: {  	[sflag:s15] =	ssyncset.done $0x0  }
0x1b: {  	[sflag:s15] =	ssyncadd.s32 $0xFFFFE800  }
0x1c: {  	[spmem:s11] =	stream.linear.scatter [tilespmem:s14], [sflag:$0x2], $0x1800, $0x38;
	[tilespmem:$0xF460] =	vst v63  }
0x1d: {  	_ =	swait.ge [sflag:s15], $0x1800  }
0x1e: {  	[sflag:s15] =	ssyncset.done $0x0  }
0x1f: {  	[sflag:s15] =	ssyncadd.s32 $0xFFFFE800  }
0x20: {  	[spmem:s12] =	stream.linear.scatter [tilespmem:s14], [sflag:$0x2], $0x1800, $0x38;
	[tilespmem:$0xF460] =	vst v63  }
0x21: {  	_ =	swait.ge [sflag:s15], $0x1800  }
0x22: {  	[sflag:s15] =	ssyncset.done $0x0  }
0x23: {  	[sflag:s15] =	ssyncadd.s32 $0xFFFFE800  }
0x24: {  	[spmem:s13] =	stream.linear.scatter [tilespmem:s14], [sflag:$0x2], $0x1800, $0x38;
	[tilespmem:$0xF460] =	vst v63  }
0x25: {  	_ =	swait.ge [sflag:s15], $0x1800  }
0x26: {  	[sflag:s15] =	ssyncset.done $0x0  }
0x27: {  	[sflag:s15] =	ssyncadd.s32 $0xFFFFE800  }
0x28: {  	[spmem:s6] =	stream.linear.scatter [tilespmem:s14], [sflag:$0x2], $0x1560, $0x38;
	[tilespmem:$0xF460] =	vst v63  }
0x29: {  	_ =	swait.ge [sflag:s15], $0x1560  }
0x2a: {  	[sflag:s15] =	ssyncset.done $0x0  }
0x2b: {  	[sflag:s15] =	ssyncadd.s32 $0xFFFFEAA0  }
0x2c: {  	s20 =	simm.s32 $0x0;
	[bflag:$0x0] =	sbarrier.arrive $0xFFFF  }
0x2d: {  	[tilespmem:s20], [sflag:$0x2] =	stream.linear.gather [hbm4b:s7+s20], $0x2780, $0x38;
	[tilespmem:$0xF460] =	vst v63  }
0x2e: {  	_ =	swait.ge [sflag:s15], $0x2780  }
0x2f: {  	[sflag:s15] =	ssyncset.done $0x0  }
0x30: {  	s30 =	simm.s32 $0x2780;
	[sflag:s15] =	ssyncadd.s32 $0xFFFFD880  }
0x31: {  	[tilespmem:s30], [sflag:$0x2] =	stream.linear.gather [hbm4b:s8+s20], $0x2780, $0x38;
	[tilespmem:$0xF460] =	vst v63  }
0x32: {  	_ =	swait.ge [sflag:s15], $0x2780  }
0x33: {  	[sflag:s15] =	ssyncset.done $0x0  }
0x34: {  	s22 =	simm.s32 $0x80;
	[sflag:s15] =	ssyncadd.s32 $0xFFFFD880  }
0x35: {  	[tilespmem:s14], [sflag:$0x1] =	stream.indirect.gather [hbm4b:s4+s22], $0x30, s20, s22, $0xb8;
	[tilespmem:$0xF460] =	vst v63  }
0x36: {  	s20 =	sand.u32 $0x1, s20  }
0x37: {  	s23 =	sxor.u32 $0x1, s20  }
0x38: {  	s23 =	smul.u32 $0x6000, s23  }
0x39: {  	_ =	swait.ge [sflag:s16], $0x1800;
	s20 =	smul.u32 $0x6000, s20  }
0x3a: {  	s31 =	simm.s32 $0x1;
	[sflag:s16] =	ssyncset.done $0x0;
	s23 =	sshrl.u32 s23, $0x2  }
0x3b: {  	[sflag:s16] =	ssyncadd.s32 $0xFFFFE800;
	s20 =	sshrl.u32 s20, $0x2;
	s23 =	sadd.s32 $0x4F00, s23  }
0x3c: {  	[tilespmem:s23], [sflag:$0x1] =	stream.indirect.gather [hbm4b:s4+s17], $0x30, s22, s17, $0xb8;
	[tilespmem:$0xF460] =	vst v63  }
0x3d: {  	s21 =	simm.s32 $0x2800;
	s20 =	sadd.s32 $0x4F00, s20;
	s23 =	simm.s32 $0x2  }
0x3e: {  	[spmem:s2] =	stream.indirect.scatter.add.f32 [tilespmem:s20], [sflag:$0x2], $0x30, s30, s17, $0xb8;
	[tilespmem:$0xF460] =	vst v63  }
0x3f: {  	s22 =	sand.u32 $0x1, s31;
	s20 =	simm.s32 $0x100;
	_ =	swait.ge [sflag:s15], $0x1800  }
.LBB2_4:
0x40: {  	s24 =	sxor.u32 $0x1, s22  }
0x41: {  	[sflag:s15] =	ssyncset.done $0x0;
	s25 =	smov.u32 s23;
	s26 =	sadd.s32 $0x1, s23  }
0x42: {  	p0 =	sne.s32 s23, $0x4D;
	s23 =	smul.u32 $0x6000, s24;
	[sflag:s15] =	ssyncadd.s32 $0xFFFFE800  }
0x43: {  	_ =	swait.ge [sflag:s16], $0x1800  }
0x44: {  	s22 =	smul.u32 $0x6000, s22;
	[sflag:s16] =	ssyncset.done $0x0;
	s23 =	sshrl.u32 s23, $0x2  }
0x45: {  	[sflag:s16] =	ssyncadd.s32 $0xFFFFE800;
	s23 =	sadd.s32 $0x4F00, s23  }
0x46: {  	[tilespmem:s23], [sflag:$0x1] =	stream.indirect.gather [hbm4b:s4+s17], $0x30, s20, s17, $0xb8;
	[tilespmem:$0xF460] =	vst v63  }
.Ltmp1:
0x47: {  	_ = 	snop;
	(pc) =	sbr.rel @p0 .LBB2_4-.Ltmp1, $4  }
0x48: {  	s22 =	sshrl.u32 s22, $0x2  }
0x49: {  	s22 =	sadd.s32 $0x4F00, s22;
	s20 =	sadd.s32 $0x80, s20;
	s23 =	smov.u32 s26  }
0x4a: {  	[spmem:s2] =	stream.indirect.scatter.add.f32 [tilespmem:s22], [sflag:$0x2], $0x30, s21, s17, $0xb8;
	[tilespmem:$0xF460] =	vst v63  }
0x4b: {  	s22 =	sand.u32 $0x1, s25;
	s21 =	sadd.s32 $0x80, s21;
	_ =	swait.ge [sflag:s15], $0x1800  }
0x4c: {  	s23 =	sxor.u32 $0x1, s22;
	[sflag:s15] =	ssyncset.done $0x0  }
0x4d: {  	s23 =	smul.u32 $0x6000, s23;
	[sflag:s15] =	ssyncadd.s32 $0xFFFFE800  }
0x4e: {  	s29 =	smul.u32 $0x6000, s22;
	_ =	swait.ge [sflag:s16], $0x1800  }
0x4f: {  	[sflag:s16] =	ssyncset.done $0x0;
	s23 =	sshrl.u32 s23, $0x2  }
0x50: {  	s30 =	sshrl.u32 s29, $0x2;
	[sflag:s16] =	ssyncadd.s32 $0xFFFFE800;
	s23 =	sadd.s32 $0x4F00, s23  }
0x51: {  	[tilespmem:s23], [sflag:$0x1] =	stream.indirect.gather [hbm4b:s4+s17], $0x30, s20, s17, $0xb8;
	[tilespmem:$0xF460] =	vst v63  }
0x52: {  	s20 =	sadd.s32 $0x4F00, s30  }
0x53: {  	[spmem:s2] =	stream.indirect.scatter.add.f32 [tilespmem:s20], [sflag:$0x2], $0x30, s21, s17, $0xb8;
	[tilespmem:$0xF460] =	vst v63  }
0x54: {  	_ =	swait.ge [sflag:s15], $0x1800  }
0x55: {  	[sflag:s15] =	ssyncset.done $0x0  }
0x56: {  	[sflag:s15] =	ssyncadd.s32 $0xFFFFE800  }
0x57: {  	_ =	swait.ge [sflag:s16], $0x1800  }
0x58: {  	[sflag:s16] =	ssyncset.done $0x0  }
0x59: {  	[sflag:s16] =	ssyncadd.s32 $0xFFFFE800  }
0x5a: {  	[spmem:s2] =	stream.indirect.scatter.add.f32 [tilespmem:s14], [sflag:$0x2], $0x30, s18, s17, $0xb8;
	[tilespmem:$0xF460] =	vst v63  }
0x5b: {  	_ =	swait.ge [sflag:s15], $0x1800  }
0x5c: {  	s3 =	sadd.s32 $0x1, s3;
	[sflag:s15] =	ssyncset.done $0x0  }
0x5d: {  	s31 =	sshll.u32 s0, $0x6;
	p0 =	sne.s32 s3, s10;
	[sflag:s15] =	ssyncadd.s32 $0xFFFFE800  }
.Ltmp2:
0x5e: {  	s20 =	sor.u32 $0x1C02, s31;
	[bflag:$0x0] =	sbarrier.arrive $0xFFFF;
	(pc) =	sbr.rel @p0 .LBB2_1-.Ltmp2, $4  }
0x5f: {  	[hbm:s9], [sflag:s20] =	dma.local [spmem:s19], $0xEAC  }
0x60: {  	_ =	swait.ge [sflag:s15], $0xEAC  }
0x61: {  	[sflag:s15] =	ssyncset.done $0x0  }
0x62: {  	[sflag:s15] =	ssyncadd.s32 $0xFFFFF154  }
0x63: {  	_ =	sfence.sel $0x180000  }
0x64: {  	[bflag:$0x0] =	sbarrier.arrive $0xFFFF  }
0x65: {  	p0 =	sne.s32 s0, $0x0;
	_ =	strace $0x9000004A  }
0x66: {  	s0 =	sadd.s32 @!p0 $0x100000, s1;
	[bflag:$0x2] =	sbarrier.arrive $0xFFFF  }
0x67: {  	[sflag:s0] =	ssyncadd.tile.s32 @!p0 $0x1;
	_ =	shalt  }
.Lfunc_end2:
_tile_overlayer_lowered:
.L_overlay_start_2:
0x68: {  	(tag) =	ssettag $0x2  }
0x69: {  	s0 =	rddreg [dreg:$0x0];
	s2 =	stileid.u32  }
0x6a: {  	s1 =	rddreg [dreg:$0x1];
	p0 =	sne.s32 s2, $0x0  }
0x6b: {  	s3 =	rddreg [dreg:$0x2];
	[bflag:$0x3] =	sbarrier.arrive $0xFFFF;
	s2 =	simm.s32 @!p0 $0x1C02  }
0x6c: {  	[timem:s3], [sflag:s2] =	dma.local @!p0 [hbm:s0], s1  }
0x6d: {  	s0 =	simm.s32 @!p0 $0x2  }
0x6e: {  	_ =	swait.ge @!p0 [sflag:s0], s1  }
0x6f: {  	s1 =	ssub.s32 @!p0 $0x0, s1;
	[sflag:s0] =	ssyncset.done @!p0 $0x0  }
0x70: {  	[sflag:s0] =	ssyncadd.s32 @!p0 s1  }
0x71: {  	[bflag:$0x3] =	sbarrier.arrive $0xFFFF  }
0x72: {  	_ =	shalt  }

</sc_bundles>
